<compile_context>
chip_gen: v7x
topology: tpu7x:2x2x1
jax: 0.10.2.dev20260603
libtpu: 0.0.44.dev20260713+nightly
codegen_flags: <defaults>
</compile_context>

<pallas_src>
import functools

import jax
import jax.numpy as jnp
from jax import lax
from jax.experimental import pallas as pl
from jax.experimental.pallas import tpu as pltpu
from jax.experimental.pallas import tpu_sc as plsc

Q_TOT = 1024
K_DB = 100000
D_PAD = 32
QB = 1024
DBB = 2048
NJ = 49
K_PAD = NJ * DBB
NQ = Q_TOT // QB
K_NN = 5

SC_NC = 2
SC_NS = 16
SC_NW = SC_NC * SC_NS
ROWS_PER_W = Q_TOT // SC_NW


def _insert_carry(v_ref, i_ref, m, gi):
    cv = v_ref[...]
    ci = i_ref[...]
    ins = m < cv
    cvp = jnp.concatenate(
        [jnp.full((QB, 1), -jnp.inf, jnp.float32), cv[:, :7]], axis=1)
    insl = m < cvp
    cip = jnp.concatenate([ci[:, :1], ci[:, :7]], axis=1)
    mb = jnp.broadcast_to(m, (QB, 8))
    gb = jnp.broadcast_to(gi, (QB, 8))
    v_ref[...] = jnp.where(insl, cvp, jnp.where(ins, mb, cv))
    i_ref[...] = jnp.where(insl, cip, jnp.where(ins, gb, ci))


def _topk_body(c2_ref, dbt_ref, sel_ref, out_ref, d_ref, v_ref, i_ref,
               mn_ref, flag_ref):
    j = pl.program_id(1)
    c2 = c2_ref[...]
    dbt = dbt_ref[...]
    q2 = 0.25 * jnp.sum(c2 * c2, axis=1, keepdims=True)
    db2 = jnp.sum(dbt * dbt, axis=0, keepdims=True)
    mm2 = jnp.dot(c2, dbt, preferred_element_type=jnp.float32)
    dd = q2 + mm2 + db2

    cols_l = lax.broadcasted_iota(jnp.int32, (QB, DBB), 1).astype(jnp.float32)
    jb = (j * DBB).astype(jnp.float32)

    @pl.when(j == 0)
    def _init():
        v_ref[...] = jnp.full((QB, 8), jnp.inf, jnp.float32)
        i_ref[...] = jnp.zeros((QB, 8), jnp.float32)

    flag_ref[0] = 1

    m = jnp.min(dd, axis=1, keepdims=True)
    cand = jnp.where(dd == m, cols_l, jnp.inf)
    gl = jnp.min(cand, axis=1, keepdims=True)
    x1 = jnp.where(cols_l == gl, jnp.inf, dd)
    _insert_carry(v_ref, i_ref, m, gl + jb)

    m1 = jnp.min(x1, axis=1, keepdims=True)
    cand = jnp.where(x1 == m1, cols_l, jnp.inf)
    gl = jnp.min(cand, axis=1, keepdims=True)
    x2 = jnp.where(cols_l == gl, jnp.inf, x1)
    d_ref[...] = x2
    mn_ref[...] = jnp.min(x2, axis=1, keepdims=True)
    _insert_carry(v_ref, i_ref, m1, gl + jb)

    for t in range(2, K_NN):
        @pl.when(flag_ref[0] == 1)
        def _maybe(t=t):
            mt = mn_ref[...]
            go = jnp.any(mt < v_ref[:, K_NN - 1:K_NN])

            @pl.when(go)
            def _extract():
                ddt = d_ref[...]
                ct = jnp.where(ddt == mt, cols_l, jnp.inf)
                gt = jnp.min(ct, axis=1, keepdims=True)
                if t < K_NN - 1:
                    xn = jnp.where(cols_l == gt, jnp.inf, ddt)
                    d_ref[...] = xn
                    mn_ref[...] = jnp.min(xn, axis=1, keepdims=True)
                _insert_carry(v_ref, i_ref, mt, gt + jb)

            @pl.when(jnp.logical_not(go))
            def _stop():
                flag_ref[0] = 0

    @pl.when(j == NJ - 1)
    def _emit():
        sel = sel_ref[0]
        chosen = i_ref[:, 0:1]
        for t in range(1, K_NN):
            chosen = jnp.where(sel == t, i_ref[:, t:t + 1], chosen)
        out_ref[0] = chosen.astype(jnp.int32)


def _topk_call(codes_pad, dbt_pad, sel3):
    return pl.pallas_call(
        _topk_body,
        grid=(NQ, NJ),
        in_specs=[
            pl.BlockSpec((QB, D_PAD), lambda qi, j: (qi, 0)),
            pl.BlockSpec((D_PAD, DBB), lambda qi, j: (0, j)),
            pl.BlockSpec((1, QB, 1), lambda qi, j: (qi, 0, 0)),
        ],
        out_specs=pl.BlockSpec((1, QB, 1), lambda qi, j: (qi, 0, 0)),
        out_shape=jax.ShapeDtypeStruct((NQ, QB, 1), jnp.int32),
        scratch_shapes=[
            pltpu.VMEM((QB, DBB), jnp.float32),
            pltpu.VMEM((QB, 8), jnp.float32),
            pltpu.VMEM((QB, 8), jnp.float32),
            pltpu.VMEM((QB, 1), jnp.float32),
            pltpu.SMEM((1,), jnp.int32),
        ],
        compiler_params=pltpu.CompilerParams(
            dimension_semantics=("parallel", "arbitrary")),
    )(codes_pad, dbt_pad, sel3)


def _gather_body(table_hbm, idx_hbm, out_hbm, idx_v, rows_v, sem):
    wid = lax.axis_index("s") * SC_NC + lax.axis_index("c")
    base = wid * ROWS_PER_W
    pltpu.sync_copy(idx_hbm.at[pl.ds(base, ROWS_PER_W)], idx_v)
    pltpu.async_copy(table_hbm.at[idx_v], rows_v, sem).wait()
    pltpu.sync_copy(rows_v, out_hbm.at[pl.ds(base, ROWS_PER_W)])


def _gather_call(table, idx, d):
    mesh = plsc.VectorSubcoreMesh(core_axis_name="c", subcore_axis_name="s")
    k = functools.partial(
        pl.kernel,
        mesh=mesh,
        out_type=jax.ShapeDtypeStruct((Q_TOT, d), jnp.float32),
        scratch_types=[
            pltpu.VMEM((ROWS_PER_W,), jnp.int32),
            pltpu.VMEM((ROWS_PER_W, d), jnp.float32),
            pltpu.SemaphoreType.DMA,
        ],
        compiler_params=pltpu.CompilerParams(use_tc_tiling_on_sc=False),
    )(_gather_body)
    return k(table, idx)


def _mlp_body(nb_ref, w1_ref, b1_ref, wu_ref, bu_ref, ws_ref, bs_ref,
              mu_ref, ls_ref):
    nb = nb_ref[...]
    h = jnp.dot(nb, w1_ref[...], preferred_element_type=jnp.float32)
    h = jnp.maximum(h + b1_ref[...], 0.0)
    mu_ref[...] = jnp.dot(h, wu_ref[...],
                          preferred_element_type=jnp.float32) + bu_ref[...]
    ls_ref[...] = jnp.dot(h, ws_ref[...],
                          preferred_element_type=jnp.float32) + bs_ref[...]


def _mlp_call(nb, w1t, b1r, wut, bur, wst, bsr):
    return pl.pallas_call(
        _mlp_body,
        out_shape=(
            jax.ShapeDtypeStruct((Q_TOT, D_PAD), jnp.float32),
            jax.ShapeDtypeStruct((Q_TOT, D_PAD), jnp.float32),
        ),
    )(nb, w1t, b1r, wut, bur, wst, bsr)


def kernel(codes, codes_db, fc1_W, fc1_b, fc2u_W, fc2u_b, fc2s_W, fc2s_b):
    q, d = codes.shape
    kdb = codes_db.shape[0]
    dp = D_PAD - d
    sel = jax.random.randint(jax.random.key(42), (q,), 0, K_NN)

    codes2_pad = jnp.pad(-2.0 * codes, ((0, 0), (0, dp)))
    dbt_pad = jnp.pad(
        jnp.pad(codes_db.T, ((0, 0), (0, K_PAD - kdb)),
                constant_values=1e19),
        ((0, dp), (0, 0)))
    table_pad = jnp.pad(codes_db, ((0, 0), (0, dp)))

    idx3 = _topk_call(codes2_pad, dbt_pad,
                      sel.astype(jnp.int32).reshape(NQ, QB, 1))
    idx = idx3.reshape(q)

    nb = _gather_call(table_pad, idx, D_PAD)

    w1t = jnp.pad(fc1_W.T, ((0, dp), (0, 0)))
    b1r = fc1_b[None, :]
    wut = jnp.pad(fc2u_W.T, ((0, 0), (0, dp)))
    bur = jnp.pad(fc2u_b, (0, dp))[None, :]
    wst = jnp.pad(fc2s_W.T, ((0, 0), (0, dp)))
    bsr = jnp.pad(fc2s_b, (0, dp))[None, :]

    mu_p, ls_p = _mlp_call(nb, w1t, b1r, wut, bur, wst, bsr)
    return (mu_p[:, :d], ls_p[:, :d])

# --- scband reference (transcript-rebuilt; emitter-appended) ---
"""Pipeline reference for scband-prior-network-34849364640311 (READ-ONLY COPY).

The authoritative reference and input builder live on the scoring server;
editing this copy changes nothing except your own understanding.
"""

import jax, jax.numpy as jnp
import numpy as np

Q = 1024
K_DB = 100000
D = 20
K_NEI = 5
H = 512


def setup_inputs(seed: int = 0) -> dict:
    key = jax.random.key(seed)
    ks = jax.random.split(key, 8)
    codes = jax.random.normal(ks[0], (Q, D), dtype=jnp.float32)
    codes_db = jax.random.normal(ks[1], (K_DB, D), dtype=jnp.float32)
    fc1_W = jax.random.normal(ks[2], (H, D), dtype=jnp.float32) * 0.05
    fc1_b = jax.random.normal(ks[3], (H,), dtype=jnp.float32) * 0.05
    fc2u_W = jax.random.normal(ks[4], (D, H), dtype=jnp.float32) * 0.05
    fc2u_b = jax.random.normal(ks[5], (D,), dtype=jnp.float32) * 0.05
    fc2s_W = jax.random.normal(ks[6], (D, H), dtype=jnp.float32) * 0.05
    fc2s_b = jax.random.normal(ks[7], (D,), dtype=jnp.float32) * 0.05
    return {"codes": codes, "codes_db": codes_db, "fc1_W": fc1_W, "fc1_b": fc1_b,
            "fc2u_W": fc2u_W, "fc2u_b": fc2u_b, "fc2s_W": fc2s_W, "fc2s_b": fc2s_b}


def reference(codes, codes_db, fc1_W, fc1_b, fc2u_W, fc2u_b, fc2s_W, fc2s_b):
    k = K_NEI
    # kneighbors(2k): squared-L2 distances from each query code to all db codes
    q2 = jnp.sum(codes * codes, axis=1, keepdims=True)          # [Q, 1]
    db2 = jnp.sum(codes_db * codes_db, axis=1)[None, :]         # [1, K_DB]
    dist = q2 - 2.0 * (codes @ codes_db.T) + db2                # [Q, K_DB]
    _, nbr_idx = jax.lax.top_k(-dist, 2 * k)                    # [Q, 2k] nearest-first
    # 'seen' set is empty at fit time -> all 2k are valid; the module then
    # sorts candidates by squared distance and keeps the k closest.
    # top_k already returns them sorted nearest-first, so take the first k.
    near_idx = nbr_idx[:, :k]                                   # [Q, k]
    neighbor_codes = codes_db[near_idx]                         # gather [Q, k, D]
    # random.choice among the k closest -> fixed-key categorical pick per query
    sel = jax.random.randint(jax.random.key(42), (codes.shape[0],), 0, k)
    neighbor = jnp.take_along_axis(neighbor_codes, sel[:, None, None], axis=1)[:, 0, :]  # [Q, D]
    # encode(prev_code)
    h1 = jax.nn.relu(neighbor @ fc1_W.T + fc1_b)
    mu = h1 @ fc2u_W.T + fc2u_b
    logstd = h1 @ fc2s_W.T + fc2s_b
    return (mu, logstd)

if __name__ == "__main__":
    import jax
    _d = setup_inputs()
    print(jax.jit(kernel)(*tuple(_d.values())))

</pallas_src>

<mosaic_0001>
#map = affine_map<(d0, d1) -> (0, 0)>
#map1 = affine_map<(d0, d1) -> (0)>
module attributes {stable_mosaic.version = 14 : i64} {
  func.func @_gather_body(%arg0: i32, %arg1: i32, %arg2: memref<100000x32xf32, #tpu.memory_space<hbm>>, %arg3: memref<1024xi32, #tpu.memory_space<hbm>>, %arg4: memref<1024x32xf32, #tpu.memory_space<hbm>>, %arg5: memref<32xi32, #tpu.memory_space<vmem>>, %arg6: memref<32x32xf32, #tpu.memory_space<vmem>>, %arg7: memref<!tpu.dma_semaphore, #tpu.memory_space<semaphore_mem>>) attributes {dimension_semantics = [#tpu.dimension_semantics<core_parallel>, #tpu.dimension_semantics<subcore_parallel>], iteration_bounds = array<i64: 2, 16>, scalar_prefetch = 0 : i64, scratch_operands = 3 : i64, tpu.core_type = #tpu.core_type<sc_vector_subcore>, window_params = [{transform_indices = #map}, {transform_indices = #map1}, {transform_indices = #map}]} {
    %mul3A = arith.constant 2 : i32
    %mul3A_0 = arith.muli %arg1, %mul3A : i32
    %add3A = arith.addi %mul3A_0, %arg0 : i32
    %mul3A_1 = arith.constant 32 : i32
    %mul3A_2 = arith.muli %add3A, %mul3A_1 : i32
    "tpu.region"() ({
      %run_scoped3A = tpu.sem_alloc : memref<!tpu.dma_semaphore, #tpu.memory_space<semaphore_mem>>
      %dma_start3A_7 = tpu.memref_slice %arg3[%mul3A_2] : memref<1024xi32, #tpu.memory_space<hbm>> -> memref<32xi32, #tpu.memory_space<hbm>>
      %dma_start3A_8 = tpu.memref_slice %arg3[%mul3A_2] : memref<1024xi32, #tpu.memory_space<hbm>> -> memref<32xi32, #tpu.memory_space<hbm>>
      tpu.enqueue_dma source(%dma_start3A_8 : memref<32xi32, #tpu.memory_space<hbm>>) target(%arg5 : memref<32xi32, #tpu.memory_space<vmem>>) target_semaphore(%run_scoped3A : memref<!tpu.dma_semaphore, #tpu.memory_space<semaphore_mem>>)
      %dma_wait3A_9 = tpu.memref_slice %arg3[%mul3A_2] : memref<1024xi32, #tpu.memory_space<hbm>> -> memref<32xi32, #tpu.memory_space<hbm>>
      %dma_wait3A_10 = tpu.memref_slice %arg3[%mul3A_2] : memref<1024xi32, #tpu.memory_space<hbm>> -> memref<32xi32, #tpu.memory_space<hbm>>
      tpu.wait_dma2 semaphore(%run_scoped3A : memref<!tpu.dma_semaphore, #tpu.memory_space<semaphore_mem>>) src(%dma_wait3A_10 : memref<32xi32, #tpu.memory_space<hbm>>) dst(%arg5 : memref<32xi32, #tpu.memory_space<vmem>>)
      tpu.yield
    }) : () -> ()
    %dma_start3A = arith.constant 0 : i32
    %dma_start3A_3 = arith.constant 0 : i32
    %dma_start3A_4 = tpu.memref_slice %arg2[%dma_start3A, %dma_start3A_3] : memref<100000x32xf32, #tpu.memory_space<hbm>> -> memref<100000x32xf32, #tpu.memory_space<hbm>>
    tpu.enqueue_indirect_dma source(%dma_start3A_4 : memref<100000x32xf32, #tpu.memory_space<hbm>>) target(%arg6 : memref<32x32xf32, #tpu.memory_space<vmem>>) offsets(%arg5 : memref<32xi32, #tpu.memory_space<vmem>>) semaphore(%arg7 : memref<!tpu.dma_semaphore, #tpu.memory_space<semaphore_mem>>)
    %dma_wait3A = arith.constant 0 : i32
    %dma_wait3A_5 = arith.constant 0 : i32
    %dma_wait3A_6 = tpu.memref_slice %arg2[%dma_wait3A, %dma_wait3A_5] : memref<100000x32xf32, #tpu.memory_space<hbm>> -> memref<100000x32xf32, #tpu.memory_space<hbm>>
    tpu.wait_indirect_dma semaphore(%arg7 : memref<!tpu.dma_semaphore, #tpu.memory_space<semaphore_mem>>) src(%dma_wait3A_6 : memref<100000x32xf32, #tpu.memory_space<hbm>>) dst(%arg6 : memref<32x32xf32, #tpu.memory_space<vmem>>)
    "tpu.region"() ({
      %run_scoped3A = tpu.sem_alloc : memref<!tpu.dma_semaphore, #tpu.memory_space<semaphore_mem>>
      %dma_start3A_7 = arith.constant 0 : i32
      %dma_start3A_8 = tpu.memref_slice %arg4[%mul3A_2, %dma_start3A_7] : memref<1024x32xf32, #tpu.memory_space<hbm>> -> memref<32x32xf32, #tpu.memory_space<hbm>>
      %dma_start3A_9 = arith.constant 0 : i32
      %dma_start3A_10 = tpu.memref_slice %arg4[%mul3A_2, %dma_start3A_9] : memref<1024x32xf32, #tpu.memory_space<hbm>> -> memref<32x32xf32, #tpu.memory_space<hbm>>
      tpu.enqueue_dma source(%arg6 : memref<32x32xf32, #tpu.memory_space<vmem>>) target(%dma_start3A_10 : memref<32x32xf32, #tpu.memory_space<hbm>>) target_semaphore(%run_scoped3A : memref<!tpu.dma_semaphore, #tpu.memory_space<semaphore_mem>>)
      %dma_wait3A_11 = arith.constant 0 : i32
      %dma_wait3A_12 = tpu.memref_slice %arg4[%mul3A_2, %dma_wait3A_11] : memref<1024x32xf32, #tpu.memory_space<hbm>> -> memref<32x32xf32, #tpu.memory_space<hbm>>
      %dma_wait3A_13 = arith.constant 0 : i32
      %dma_wait3A_14 = tpu.memref_slice %arg4[%mul3A_2, %dma_wait3A_13] : memref<1024x32xf32, #tpu.memory_space<hbm>> -> memref<32x32xf32, #tpu.memory_space<hbm>>
      tpu.wait_dma2 semaphore(%run_scoped3A : memref<!tpu.dma_semaphore, #tpu.memory_space<semaphore_mem>>) src(%arg6 : memref<32x32xf32, #tpu.memory_space<vmem>>) dst(%dma_wait3A_14 : memref<32x32xf32, #tpu.memory_space<hbm>>)
      tpu.yield
    }) : () -> ()
    return
  }
}

module attributes {stable_mosaic.version = 14 : i64} {
  func.func @_topk_body(%arg0: i32, %arg1: i32, %arg2: memref<1024x32xf32, #tpu.memory_space<vmem>>, %arg3: memref<32x2048xf32, #tpu.memory_space<vmem>>, %arg4: memref<1x1024x1xi32, #tpu.memory_space<vmem>>, %arg5: memref<1x1024x1xi32, #tpu.memory_space<vmem>>, %arg6: memref<1024x2048xf32, #tpu.memory_space<vmem>>, %arg7: memref<1024x8xf32, #tpu.memory_space<vmem>>, %arg8: memref<1024x8xf32, #tpu.memory_space<vmem>>, %arg9: memref<1024x1xf32, #tpu.memory_space<vmem>>, %arg10: memref<1xi32, #tpu.memory_space<smem>>) attributes {dimension_semantics = [#tpu.dimension_semantics<parallel>, #tpu.dimension_semantics<arbitrary>], iteration_bounds = array<i64: 1, 49>, scalar_prefetch = 0 : i64, scratch_operands = 5 : i64, tpu.core_type = #tpu.core_type<tc>, window_params = [{transform_indices = @transform_0, window_bounds = array<i64: 1024, 32>}, {transform_indices = @transform_1, window_bounds = array<i64: 32, 2048>}, {transform_indices = @transform_2, window_bounds = array<i64: 1, 1024, 1>}, {transform_indices = @transform_3, window_bounds = array<i64: 1, 1024, 1>}]} {
    %get3A = arith.constant 0 : index
    %get3A_0 = arith.constant 0 : index
    %get3A_1 = vector.load %arg2[%get3A, %get3A_0] : memref<1024x32xf32, #tpu.memory_space<vmem>>, vector<1024x32xf32>
    %get3A_2 = arith.constant 0 : index
    %get3A_3 = arith.constant 0 : index
    %get3A_4 = vector.load %arg3[%get3A_2, %get3A_3] : memref<32x2048xf32, #tpu.memory_space<vmem>>, vector<32x2048xf32>
    %mul3A = arith.mulf %get3A_1, %get3A_1 : vector<1024x32xf32>
    %reduce_sum3A = arith.constant dense<0.000000e+00> : vector<1024xf32>
    %reduce_sum3A_5 = vector.multi_reduction <add>, %mul3A, %reduce_sum3A [1] : vector<1024x32xf32> to vector<1024xf32>
    %broadcast_in_dim3A = vector.shape_cast %reduce_sum3A_5 : vector<1024xf32> to vector<1024x1xf32>
    %mul3A_6 = arith.constant 2.500000e-01 : f32
    %mul3A_7 = vector.broadcast %mul3A_6 : f32 to vector<1024x1xf32>
    %mul3A_8 = arith.mulf %mul3A_7, %broadcast_in_dim3A : vector<1024x1xf32>
    %mul3A_9 = arith.mulf %get3A_4, %get3A_4 : vector<32x2048xf32>
    %reduce_sum3A_10 = arith.constant dense<0.000000e+00> : vector<2048xf32>
    %reduce_sum3A_11 = vector.multi_reduction <add>, %mul3A_9, %reduce_sum3A_10 [0] : vector<32x2048xf32> to vector<2048xf32>
    %broadcast_in_dim3A_12 = vector.shape_cast %reduce_sum3A_11 : vector<2048xf32> to vector<1x2048xf32>
    %dot_general3A = arith.constant dense<0.000000e+00> : vector<1024x2048xf32>
    %dot_general3A_13 = tpu.matmul %get3A_1, %get3A_4, %dot_general3A {dimension_numbers = #tpu.dot_dimension_numbers<[1], [0], [0], [1], [0, 0, 1, 1], [], []>, transpose_lhs_hint = false} : vector<1024x32xf32>, vector<32x2048xf32>, vector<1024x2048xf32> -> vector<1024x2048xf32>
    %add3A = vector.broadcast %mul3A_8 : vector<1024x1xf32> to vector<1024x2048xf32>
    %add3A_14 = arith.addf %add3A, %dot_general3A_13 : vector<1024x2048xf32>
    %add3A_15 = vector.broadcast %broadcast_in_dim3A_12 : vector<1x2048xf32> to vector<1024x2048xf32>
    %add3A_16 = arith.addf %add3A_14, %add3A_15 : vector<1024x2048xf32>
    %iota3A = tpu.iota {dimensions = array<i32: 1>} : vector<1024x2048xi32>
    %convert_element_type3A = arith.sitofp %iota3A : vector<1024x2048xi32> to vector<1024x2048xf32>
    %mul3A_17 = arith.constant 2048 : i32
    %mul3A_18 = arith.muli %arg1, %mul3A_17 : i32
    %convert_element_type3A_19 = arith.sitofp %mul3A_18 : i32 to f32
    %eq3A = arith.constant 0 : i32
    %eq3A_20 = arith.cmpi eq, %arg1, %eq3A : i32
    %convert_element_type3A_21 = arith.extui %eq3A_20 : i1 to i32
    %cond3A = arith.constant 0 : i32
    %cond3A_22 = arith.cmpi ne, %convert_element_type3A_21, %cond3A : i32
    scf.if %cond3A_22 {
      %broadcast_in_dim3A_152 = arith.constant 0x7F800000 : f32
      %broadcast_in_dim3A_153 = vector.broadcast %broadcast_in_dim3A_152 : f32 to vector<1024x8xf32>
      %swap3A_154 = arith.constant 0 : index
      %swap3A_155 = arith.constant 0 : index
      %swap3A_156 = vector.load %arg7[%swap3A_154, %swap3A_155] : memref<1024x8xf32, #tpu.memory_space<vmem>>, vector<1024x8xf32>
      tpu.vector_store %arg7[%swap3A_154, %swap3A_155], %broadcast_in_dim3A_153 {strides = array<i32>} : memref<1024x8xf32, #tpu.memory_space<vmem>>, vector<1024x8xf32>,
      %broadcast_in_dim3A_157 = arith.constant 0.000000e+00 : f32
      %broadcast_in_dim3A_158 = vector.broadcast %broadcast_in_dim3A_157 : f32 to vector<1024x8xf32>
      %swap3A_159 = arith.constant 0 : index
      %swap3A_160 = arith.constant 0 : index
      %swap3A_161 = vector.load %arg8[%swap3A_159, %swap3A_160] : memref<1024x8xf32, #tpu.memory_space<vmem>>, vector<1024x8xf32>
      tpu.vector_store %arg8[%swap3A_159, %swap3A_160], %broadcast_in_dim3A_158 {strides = array<i32>} : memref<1024x8xf32, #tpu.memory_space<vmem>>, vector<1024x8xf32>,
    } else {
    }
    %swap3A = arith.constant 1 : i32
    %swap3A_23 = arith.constant 0 : index
    %swap3A_24 = memref.load %arg10[%swap3A_23] : memref<1xi32, #tpu.memory_space<smem>>
    memref.store %swap3A, %arg10[%swap3A_23] : memref<1xi32, #tpu.memory_space<smem>>
    %reduce_min3A = arith.constant dense<0x7F800000> : vector<1024xf32>
    %reduce_min3A_25 = vector.multi_reduction <minimumf>, %add3A_16, %reduce_min3A [1] : vector<1024x2048xf32> to vector<1024xf32>
    %broadcast_in_dim3A_26 = vector.shape_cast %reduce_min3A_25 : vector<1024xf32> to vector<1024x1xf32>
    %eq3A_27 = vector.broadcast %broadcast_in_dim3A_26 : vector<1024x1xf32> to vector<1024x2048xf32>
    %eq3A_28 = arith.cmpf oeq, %add3A_16, %eq3A_27 : vector<1024x2048xf32>
    %jit3A = arith.constant 0x7F800000 : f32
    %broadcast_in_dim3A_29 = vector.broadcast %jit3A : f32 to vector<1024x2048xf32>
    %select_n3A = arith.select %eq3A_28, %convert_element_type3A, %broadcast_in_dim3A_29 : vector<1024x2048xi1>, vector<1024x2048xf32>
    %reduce_min3A_30 = arith.constant dense<0x7F800000> : vector<1024xf32>
    %reduce_min3A_31 = vector.multi_reduction <minimumf>, %select_n3A, %reduce_min3A_30 [1] : vector<1024x2048xf32> to vector<1024xf32>
    %broadcast_in_dim3A_32 = vector.shape_cast %reduce_min3A_31 : vector<1024xf32> to vector<1024x1xf32>
    %eq3A_33 = vector.broadcast %broadcast_in_dim3A_32 : vector<1024x1xf32> to vector<1024x2048xf32>
    %eq3A_34 = arith.cmpf oeq, %convert_element_type3A, %eq3A_33 : vector<1024x2048xf32>
    %jit3A_35 = arith.constant 0x7F800000 : f32
    %broadcast_in_dim3A_36 = vector.broadcast %jit3A_35 : f32 to vector<1024x2048xf32>
    %select_n3A_37 = arith.select %eq3A_34, %broadcast_in_dim3A_36, %add3A_16 : vector<1024x2048xi1>, vector<1024x2048xf32>
    %add3A_38 = vector.broadcast %convert_element_type3A_19 : f32 to vector<1024x1xf32>
    %add3A_39 = arith.addf %broadcast_in_dim3A_32, %add3A_38 : vector<1024x1xf32>
    %get3A_40 = arith.constant 0 : index
    %get3A_41 = arith.constant 0 : index
    %get3A_42 = vector.load %arg7[%get3A_40, %get3A_41] : memref<1024x8xf32, #tpu.memory_space<vmem>>, vector<1024x8xf32>
    %get3A_43 = arith.constant 0 : index
    %get3A_44 = arith.constant 0 : index
    %get3A_45 = vector.load %arg8[%get3A_43, %get3A_44] : memref<1024x8xf32, #tpu.memory_space<vmem>>, vector<1024x8xf32>
    %lt3A = vector.broadcast %broadcast_in_dim3A_26 : vector<1024x1xf32> to vector<1024x8xf32>
    %lt3A_46 = arith.cmpf olt, %lt3A, %get3A_42 : vector<1024x8xf32>
    %broadcast_in_dim3A_47 = arith.constant 0xFF800000 : f32
    %broadcast_in_dim3A_48 = vector.broadcast %broadcast_in_dim3A_47 : f32 to vector<1024x1xf32>
    %slice3A = vector.extract_strided_slice %get3A_42 {offsets = [0, 0], sizes = [1024, 7], strides = [1, 1]} : vector<1024x8xf32> to vector<1024x7xf32>
    %concatenate3A = tpu.concatenate %broadcast_in_dim3A_48, %slice3A in 1 : vector<1024x1xf32>, vector<1024x7xf32> -> vector<1024x8xf32>
    %lt3A_49 = vector.broadcast %broadcast_in_dim3A_26 : vector<1024x1xf32> to vector<1024x8xf32>
    %lt3A_50 = arith.cmpf olt, %lt3A_49, %concatenate3A : vector<1024x8xf32>
    %slice3A_51 = vector.extract_strided_slice %get3A_45 {offsets = [0, 0], sizes = [1024, 1], strides = [1, 1]} : vector<1024x8xf32> to vector<1024x1xf32>
    %slice3A_52 = vector.extract_strided_slice %get3A_45 {offsets = [0, 0], sizes = [1024, 7], strides = [1, 1]} : vector<1024x8xf32> to vector<1024x7xf32>
    %concatenate3A_53 = tpu.concatenate %slice3A_51, %slice3A_52 in 1 : vector<1024x1xf32>, vector<1024x7xf32> -> vector<1024x8xf32>
    %broadcast_in_dim3A_54 = vector.shape_cast %broadcast_in_dim3A_26 : vector<1024x1xf32> to vector<1024x1xf32>
    %broadcast_in_dim3A_55 = vector.broadcast %broadcast_in_dim3A_54 : vector<1024x1xf32> to vector<1024x8xf32>
    %broadcast_in_dim3A_56 = vector.shape_cast %add3A_39 : vector<1024x1xf32> to vector<1024x1xf32>
    %broadcast_in_dim3A_57 = vector.broadcast %broadcast_in_dim3A_56 : vector<1024x1xf32> to vector<1024x8xf32>
    %select_n3A_58 = arith.select %lt3A_46, %broadcast_in_dim3A_55, %get3A_42 : vector<1024x8xi1>, vector<1024x8xf32>
    %select_n3A_59 = arith.select %lt3A_50, %concatenate3A, %select_n3A_58 : vector<1024x8xi1>, vector<1024x8xf32>
    %swap3A_60 = arith.constant 0 : index
    %swap3A_61 = arith.constant 0 : index
    %swap3A_62 = vector.load %arg7[%swap3A_60, %swap3A_61] : memref<1024x8xf32, #tpu.memory_space<vmem>>, vector<1024x8xf32>
    tpu.vector_store %arg7[%swap3A_60, %swap3A_61], %select_n3A_59 {strides = array<i32>} : memref<1024x8xf32, #tpu.memory_space<vmem>>, vector<1024x8xf32>,
    %select_n3A_63 = arith.select %lt3A_46, %broadcast_in_dim3A_57, %get3A_45 : vector<1024x8xi1>, vector<1024x8xf32>
    %select_n3A_64 = arith.select %lt3A_50, %concatenate3A_53, %select_n3A_63 : vector<1024x8xi1>, vector<1024x8xf32>
    %swap3A_65 = arith.constant 0 : index
    %swap3A_66 = arith.constant 0 : index
    %swap3A_67 = vector.load %arg8[%swap3A_65, %swap3A_66] : memref<1024x8xf32, #tpu.memory_space<vmem>>, vector<1024x8xf32>
    tpu.vector_store %arg8[%swap3A_65, %swap3A_66], %select_n3A_64 {strides = array<i32>} : memref<1024x8xf32, #tpu.memory_space<vmem>>, vector<1024x8xf32>,
    %reduce_min3A_68 = arith.constant dense<0x7F800000> : vector<1024xf32>
    %reduce_min3A_69 = vector.multi_reduction <minimumf>, %select_n3A_37, %reduce_min3A_68 [1] : vector<1024x2048xf32> to vector<1024xf32>
    %broadcast_in_dim3A_70 = vector.shape_cast %reduce_min3A_69 : vector<1024xf32> to vector<1024x1xf32>
    %eq3A_71 = vector.broadcast %broadcast_in_dim3A_70 : vector<1024x1xf32> to vector<1024x2048xf32>
    %eq3A_72 = arith.cmpf oeq, %select_n3A_37, %eq3A_71 : vector<1024x2048xf32>
    %jit3A_73 = arith.constant 0x7F800000 : f32
    %broadcast_in_dim3A_74 = vector.broadcast %jit3A_73 : f32 to vector<1024x2048xf32>
    %select_n3A_75 = arith.select %eq3A_72, %convert_element_type3A, %broadcast_in_dim3A_74 : vector<1024x2048xi1>, vector<1024x2048xf32>
    %reduce_min3A_76 = arith.constant dense<0x7F800000> : vector<1024xf32>
    %reduce_min3A_77 = vector.multi_reduction <minimumf>, %select_n3A_75, %reduce_min3A_76 [1] : vector<1024x2048xf32> to vector<1024xf32>
    %broadcast_in_dim3A_78 = vector.shape_cast %reduce_min3A_77 : vector<1024xf32> to vector<1024x1xf32>
    %eq3A_79 = vector.broadcast %broadcast_in_dim3A_78 : vector<1024x1xf32> to vector<1024x2048xf32>
    %eq3A_80 = arith.cmpf oeq, %convert_element_type3A, %eq3A_79 : vector<1024x2048xf32>
    %jit3A_81 = arith.constant 0x7F800000 : f32
    %broadcast_in_dim3A_82 = vector.broadcast %jit3A_81 : f32 to vector<1024x2048xf32>
    %select_n3A_83 = arith.select %eq3A_80, %broadcast_in_dim3A_82, %select_n3A_37 : vector<1024x2048xi1>, vector<1024x2048xf32>
    %swap3A_84 = arith.constant 0 : index
    %swap3A_85 = arith.constant 0 : index
    %swap3A_86 = vector.load %arg6[%swap3A_84, %swap3A_85] : memref<1024x2048xf32, #tpu.memory_space<vmem>>, vector<1024x2048xf32>
    tpu.vector_store %arg6[%swap3A_84, %swap3A_85], %select_n3A_83 {strides = array<i32>} : memref<1024x2048xf32, #tpu.memory_space<vmem>>, vector<1024x2048xf32>,
    %reduce_min3A_87 = arith.constant dense<0x7F800000> : vector<1024xf32>
    %reduce_min3A_88 = vector.multi_reduction <minimumf>, %select_n3A_83, %reduce_min3A_87 [1] : vector<1024x2048xf32> to vector<1024xf32>
    %broadcast_in_dim3A_89 = vector.shape_cast %reduce_min3A_88 : vector<1024xf32> to vector<1024x1xf32>
    %swap3A_90 = arith.constant 0 : index
    %swap3A_91 = arith.constant 0 : index
    %swap3A_92 = vector.load %arg9[%swap3A_90, %swap3A_91] : memref<1024x1xf32, #tpu.memory_space<vmem>>, vector<1024x1xf32>
    tpu.vector_store %arg9[%swap3A_90, %swap3A_91], %broadcast_in_dim3A_89 {strides = array<i32>} : memref<1024x1xf32, #tpu.memory_space<vmem>>, vector<1024x1xf32>,
    %add3A_93 = vector.broadcast %convert_element_type3A_19 : f32 to vector<1024x1xf32>
    %add3A_94 = arith.addf %broadcast_in_dim3A_78, %add3A_93 : vector<1024x1xf32>
    %get3A_95 = arith.constant 0 : index
    %get3A_96 = arith.constant 0 : index
    %get3A_97 = vector.load %arg7[%get3A_95, %get3A_96] : memref<1024x8xf32, #tpu.memory_space<vmem>>, vector<1024x8xf32>
    %get3A_98 = arith.constant 0 : index
    %get3A_99 = arith.constant 0 : index
    %get3A_100 = vector.load %arg8[%get3A_98, %get3A_99] : memref<1024x8xf32, #tpu.memory_space<vmem>>, vector<1024x8xf32>
    %lt3A_101 = vector.broadcast %broadcast_in_dim3A_70 : vector<1024x1xf32> to vector<1024x8xf32>
    %lt3A_102 = arith.cmpf olt, %lt3A_101, %get3A_97 : vector<1024x8xf32>
    %broadcast_in_dim3A_103 = arith.constant 0xFF800000 : f32
    %broadcast_in_dim3A_104 = vector.broadcast %broadcast_in_dim3A_103 : f32 to vector<1024x1xf32>
    %slice3A_105 = vector.extract_strided_slice %get3A_97 {offsets = [0, 0], sizes = [1024, 7], strides = [1, 1]} : vector<1024x8xf32> to vector<1024x7xf32>
    %concatenate3A_106 = tpu.concatenate %broadcast_in_dim3A_104, %slice3A_105 in 1 : vector<1024x1xf32>, vector<1024x7xf32> -> vector<1024x8xf32>
    %lt3A_107 = vector.broadcast %broadcast_in_dim3A_70 : vector<1024x1xf32> to vector<1024x8xf32>
    %lt3A_108 = arith.cmpf olt, %lt3A_107, %concatenate3A_106 : vector<1024x8xf32>
    %slice3A_109 = vector.extract_strided_slice %get3A_100 {offsets = [0, 0], sizes = [1024, 1], strides = [1, 1]} : vector<1024x8xf32> to vector<1024x1xf32>
    %slice3A_110 = vector.extract_strided_slice %get3A_100 {offsets = [0, 0], sizes = [1024, 7], strides = [1, 1]} : vector<1024x8xf32> to vector<1024x7xf32>
    %concatenate3A_111 = tpu.concatenate %slice3A_109, %slice3A_110 in 1 : vector<1024x1xf32>, vector<1024x7xf32> -> vector<1024x8xf32>
    %broadcast_in_dim3A_112 = vector.shape_cast %broadcast_in_dim3A_70 : vector<1024x1xf32> to vector<1024x1xf32>
    %broadcast_in_dim3A_113 = vector.broadcast %broadcast_in_dim3A_112 : vector<1024x1xf32> to vector<1024x8xf32>
    %broadcast_in_dim3A_114 = vector.shape_cast %add3A_94 : vector<1024x1xf32> to vector<1024x1xf32>
    %broadcast_in_dim3A_115 = vector.broadcast %broadcast_in_dim3A_114 : vector<1024x1xf32> to vector<1024x8xf32>
    %select_n3A_116 = arith.select %lt3A_102, %broadcast_in_dim3A_113, %get3A_97 : vector<1024x8xi1>, vector<1024x8xf32>
    %select_n3A_117 = arith.select %lt3A_108, %concatenate3A_106, %select_n3A_116 : vector<1024x8xi1>, vector<1024x8xf32>
    %swap3A_118 = arith.constant 0 : index
    %swap3A_119 = arith.constant 0 : index
    %swap3A_120 = vector.load %arg7[%swap3A_118, %swap3A_119] : memref<1024x8xf32, #tpu.memory_space<vmem>>, vector<1024x8xf32>
    tpu.vector_store %arg7[%swap3A_118, %swap3A_119], %select_n3A_117 {strides = array<i32>} : memref<1024x8xf32, #tpu.memory_space<vmem>>, vector<1024x8xf32>,
    %select_n3A_121 = arith.select %lt3A_102, %broadcast_in_dim3A_115, %get3A_100 : vector<1024x8xi1>, vector<1024x8xf32>
    %select_n3A_122 = arith.select %lt3A_108, %concatenate3A_111, %select_n3A_121 : vector<1024x8xi1>, vector<1024x8xf32>
    %swap3A_123 = arith.constant 0 : index
    %swap3A_124 = arith.constant 0 : index
    %swap3A_125 = vector.load %arg8[%swap3A_123, %swap3A_124] : memref<1024x8xf32, #tpu.memory_space<vmem>>, vector<1024x8xf32>
    tpu.vector_store %arg8[%swap3A_123, %swap3A_124], %select_n3A_122 {strides = array<i32>} : memref<1024x8xf32, #tpu.memory_space<vmem>>, vector<1024x8xf32>,
    %get3A_126 = arith.constant 0 : index
    %get3A_127 = memref.load %arg10[%get3A_126] : memref<1xi32, #tpu.memory_space<smem>>
    %eq3A_128 = arith.constant 1 : i32
    %eq3A_129 = arith.cmpi eq, %get3A_127, %eq3A_128 : i32
    %convert_element_type3A_130 = arith.extui %eq3A_129 : i1 to i32
    %cond3A_131 = arith.constant 0 : i32
    %cond3A_132 = arith.cmpi ne, %convert_element_type3A_130, %cond3A_131 : i32
    scf.if %cond3A_132 {
      %get3A_152 = arith.constant 0 : index
      %get3A_153 = arith.constant 0 : index
      %get3A_154 = vector.load %arg9[%get3A_152, %get3A_153] : memref<1024x1xf32, #tpu.memory_space<vmem>>, vector<1024x1xf32>
      %get3A_155 = arith.constant 0 : index
      %get3A_156 = arith.constant 4 : index
      %get3A_157 = vector.load %arg7[%get3A_155, %get3A_156] : memref<1024x8xf32, #tpu.memory_space<vmem>>, vector<1024x1xf32>
      %lt3A_158 = arith.cmpf olt, %get3A_154, %get3A_157 : vector<1024x1xf32>
      %reduce_or3A = arith.constant 1.000000e+00 : f32
      %reduce_or3A_159 = arith.constant 0.000000e+00 : f32
      %reduce_or3A_160 = vector.broadcast %reduce_or3A : f32 to vector<1024x1xf32>
      %reduce_or3A_161 = vector.broadcast %reduce_or3A_159 : f32 to vector<1024x1xf32>
      %reduce_or3A_162 = arith.select %lt3A_158, %reduce_or3A_160, %reduce_or3A_161 : vector<1024x1xi1>, vector<1024x1xf32>
      %reduce_or3A_163 = vector.shape_cast %reduce_or3A_162 : vector<1024x1xf32> to vector<1x1024x1xf32>
      %reduce_or3A_164 = arith.constant dense<0xFF800000> : vector<1xf32>
      %reduce_or3A_165 = vector.multi_reduction <maximumf>, %reduce_or3A_163, %reduce_or3A_164 [1, 2] : vector<1x1024x1xf32> to vector<1xf32>
      %reduce_or3A_166 = vector.shape_cast %reduce_or3A_165 : vector<1xf32> to vector<1x1x1xf32>
      %reduce_or3A_167 = vector.extract %reduce_or3A_166[0, 0, 0] : f32 from vector<1x1x1xf32>
      %reduce_or3A_168 = arith.constant 0.000000e+00 : f32
      %reduce_or3A_169 = arith.cmpf ogt, %reduce_or3A_167, %reduce_or3A_168 : f32
      %convert_element_type3A_170 = arith.extui %reduce_or3A_169 : i1 to i32
      %cond3A_171 = arith.constant 0 : i32
      %cond3A_172 = arith.cmpi ne, %convert_element_type3A_170, %cond3A_171 : i32
      scf.if %cond3A_172 {
        %get3A_177 = arith.constant 0 : index
        %get3A_178 = arith.constant 0 : index
        %get3A_179 = vector.load %arg6[%get3A_177, %get3A_178] : memref<1024x2048xf32, #tpu.memory_space<vmem>>, vector<1024x2048xf32>
        %eq3A_180 = vector.broadcast %get3A_154 : vector<1024x1xf32> to vector<1024x2048xf32>
        %eq3A_181 = arith.cmpf oeq, %get3A_179, %eq3A_180 : vector<1024x2048xf32>
        %jit3A_182 = arith.constant 0x7F800000 : f32
        %broadcast_in_dim3A_183 = vector.broadcast %jit3A_182 : f32 to vector<1024x2048xf32>
        %select_n3A_184 = arith.select %eq3A_181, %convert_element_type3A, %broadcast_in_dim3A_183 : vector<1024x2048xi1>, vector<1024x2048xf32>
        %reduce_min3A_185 = arith.constant dense<0x7F800000> : vector<1024xf32>
        %reduce_min3A_186 = vector.multi_reduction <minimumf>, %select_n3A_184, %reduce_min3A_185 [1] : vector<1024x2048xf32> to vector<1024xf32>
        %broadcast_in_dim3A_187 = vector.shape_cast %reduce_min3A_186 : vector<1024xf32> to vector<1024x1xf32>
        %eq3A_188 = vector.broadcast %broadcast_in_dim3A_187 : vector<1024x1xf32> to vector<1024x2048xf32>
        %eq3A_189 = arith.cmpf oeq, %convert_element_type3A, %eq3A_188 : vector<1024x2048xf32>
        %jit3A_190 = arith.constant 0x7F800000 : f32
        %broadcast_in_dim3A_191 = vector.broadcast %jit3A_190 : f32 to vector<1024x2048xf32>
        %select_n3A_192 = arith.select %eq3A_189, %broadcast_in_dim3A_191, %get3A_179 : vector<1024x2048xi1>, vector<1024x2048xf32>
        %swap3A_193 = arith.constant 0 : index
        %swap3A_194 = arith.constant 0 : index
        %swap3A_195 = vector.load %arg6[%swap3A_193, %swap3A_194] : memref<1024x2048xf32, #tpu.memory_space<vmem>>, vector<1024x2048xf32>
        tpu.vector_store %arg6[%swap3A_193, %swap3A_194], %select_n3A_192 {strides = array<i32>} : memref<1024x2048xf32, #tpu.memory_space<vmem>>, vector<1024x2048xf32>,
        %reduce_min3A_196 = arith.constant dense<0x7F800000> : vector<1024xf32>
        %reduce_min3A_197 = vector.multi_reduction <minimumf>, %select_n3A_192, %reduce_min3A_196 [1] : vector<1024x2048xf32> to vector<1024xf32>
        %broadcast_in_dim3A_198 = vector.shape_cast %reduce_min3A_197 : vector<1024xf32> to vector<1024x1xf32>
        %swap3A_199 = arith.constant 0 : index
        %swap3A_200 = arith.constant 0 : index
        %swap3A_201 = vector.load %arg9[%swap3A_199, %swap3A_200] : memref<1024x1xf32, #tpu.memory_space<vmem>>, vector<1024x1xf32>
        tpu.vector_store %arg9[%swap3A_199, %swap3A_200], %broadcast_in_dim3A_198 {strides = array<i32>} : memref<1024x1xf32, #tpu.memory_space<vmem>>, vector<1024x1xf32>,
        %add3A_202 = vector.broadcast %convert_element_type3A_19 : f32 to vector<1024x1xf32>
        %add3A_203 = arith.addf %broadcast_in_dim3A_187, %add3A_202 : vector<1024x1xf32>
        %get3A_204 = arith.constant 0 : index
        %get3A_205 = arith.constant 0 : index
        %get3A_206 = vector.load %arg7[%get3A_204, %get3A_205] : memref<1024x8xf32, #tpu.memory_space<vmem>>, vector<1024x8xf32>
        %get3A_207 = arith.constant 0 : index
        %get3A_208 = arith.constant 0 : index
        %get3A_209 = vector.load %arg8[%get3A_207, %get3A_208] : memref<1024x8xf32, #tpu.memory_space<vmem>>, vector<1024x8xf32>
        %lt3A_210 = vector.broadcast %get3A_154 : vector<1024x1xf32> to vector<1024x8xf32>
        %lt3A_211 = arith.cmpf olt, %lt3A_210, %get3A_206 : vector<1024x8xf32>
        %broadcast_in_dim3A_212 = arith.constant 0xFF800000 : f32
        %broadcast_in_dim3A_213 = vector.broadcast %broadcast_in_dim3A_212 : f32 to vector<1024x1xf32>
        %slice3A_214 = vector.extract_strided_slice %get3A_206 {offsets = [0, 0], sizes = [1024, 7], strides = [1, 1]} : vector<1024x8xf32> to vector<1024x7xf32>
        %concatenate3A_215 = tpu.concatenate %broadcast_in_dim3A_213, %slice3A_214 in 1 : vector<1024x1xf32>, vector<1024x7xf32> -> vector<1024x8xf32>
        %lt3A_216 = vector.broadcast %get3A_154 : vector<1024x1xf32> to vector<1024x8xf32>
        %lt3A_217 = arith.cmpf olt, %lt3A_216, %concatenate3A_215 : vector<1024x8xf32>
        %slice3A_218 = vector.extract_strided_slice %get3A_209 {offsets = [0, 0], sizes = [1024, 1], strides = [1, 1]} : vector<1024x8xf32> to vector<1024x1xf32>
        %slice3A_219 = vector.extract_strided_slice %get3A_209 {offsets = [0, 0], sizes = [1024, 7], strides = [1, 1]} : vector<1024x8xf32> to vector<1024x7xf32>
        %concatenate3A_220 = tpu.concatenate %slice3A_218, %slice3A_219 in 1 : vector<1024x1xf32>, vector<1024x7xf32> -> vector<1024x8xf32>
        %broadcast_in_dim3A_221 = vector.shape_cast %get3A_154 : vector<1024x1xf32> to vector<1024x1xf32>
        %broadcast_in_dim3A_222 = vector.broadcast %broadcast_in_dim3A_221 : vector<1024x1xf32> to vector<1024x8xf32>
        %broadcast_in_dim3A_223 = vector.shape_cast %add3A_203 : vector<1024x1xf32> to vector<1024x1xf32>
        %broadcast_in_dim3A_224 = vector.broadcast %broadcast_in_dim3A_223 : vector<1024x1xf32> to vector<1024x8xf32>
        %select_n3A_225 = arith.select %lt3A_211, %broadcast_in_dim3A_222, %get3A_206 : vector<1024x8xi1>, vector<1024x8xf32>
        %select_n3A_226 = arith.select %lt3A_217, %concatenate3A_215, %select_n3A_225 : vector<1024x8xi1>, vector<1024x8xf32>
        %swap3A_227 = arith.constant 0 : index
        %swap3A_228 = arith.constant 0 : index
        %swap3A_229 = vector.load %arg7[%swap3A_227, %swap3A_228] : memref<1024x8xf32, #tpu.memory_space<vmem>>, vector<1024x8xf32>
        tpu.vector_store %arg7[%swap3A_227, %swap3A_228], %select_n3A_226 {strides = array<i32>} : memref<1024x8xf32, #tpu.memory_space<vmem>>, vector<1024x8xf32>,
        %select_n3A_230 = arith.select %lt3A_211, %broadcast_in_dim3A_224, %get3A_209 : vector<1024x8xi1>, vector<1024x8xf32>
        %select_n3A_231 = arith.select %lt3A_217, %concatenate3A_220, %select_n3A_230 : vector<1024x8xi1>, vector<1024x8xf32>
        %swap3A_232 = arith.constant 0 : index
        %swap3A_233 = arith.constant 0 : index
        %swap3A_234 = vector.load %arg8[%swap3A_232, %swap3A_233] : memref<1024x8xf32, #tpu.memory_space<vmem>>, vector<1024x8xf32>
        tpu.vector_store %arg8[%swap3A_232, %swap3A_233], %select_n3A_231 {strides = array<i32>} : memref<1024x8xf32, #tpu.memory_space<vmem>>, vector<1024x8xf32>,
      } else {
      }
      %not3A = arith.constant true
      %not3A_173 = arith.xori %reduce_or3A_169, %not3A : i1
      %convert_element_type3A_174 = arith.extui %not3A_173 : i1 to i32
      %cond3A_175 = arith.constant 0 : i32
      %cond3A_176 = arith.cmpi ne, %convert_element_type3A_174, %cond3A_175 : i32
      scf.if %cond3A_176 {
        %swap3A_177 = arith.constant 0 : i32
        %swap3A_178 = arith.constant 0 : index
        %swap3A_179 = memref.load %arg10[%swap3A_178] : memref<1xi32, #tpu.memory_space<smem>>
        memref.store %swap3A_177, %arg10[%swap3A_178] : memref<1xi32, #tpu.memory_space<smem>>
      } else {
      }
    } else {
    }
    %get3A_133 = arith.constant 0 : index
    %get3A_134 = memref.load %arg10[%get3A_133] : memref<1xi32, #tpu.memory_space<smem>>
    %eq3A_135 = arith.constant 1 : i32
    %eq3A_136 = arith.cmpi eq, %get3A_134, %eq3A_135 : i32
    %convert_element_type3A_137 = arith.extui %eq3A_136 : i1 to i32
    %cond3A_138 = arith.constant 0 : i32
    %cond3A_139 = arith.cmpi ne, %convert_element_type3A_137, %cond3A_138 : i32
    scf.if %cond3A_139 {
      %get3A_152 = arith.constant 0 : index
      %get3A_153 = arith.constant 0 : index
      %get3A_154 = vector.load %arg9[%get3A_152, %get3A_153] : memref<1024x1xf32, #tpu.memory_space<vmem>>, vector<1024x1xf32>
      %get3A_155 = arith.constant 0 : index
      %get3A_156 = arith.constant 4 : index
      %get3A_157 = vector.load %arg7[%get3A_155, %get3A_156] : memref<1024x8xf32, #tpu.memory_space<vmem>>, vector<1024x1xf32>
      %lt3A_158 = arith.cmpf olt, %get3A_154, %get3A_157 : vector<1024x1xf32>
      %reduce_or3A = arith.constant 1.000000e+00 : f32
      %reduce_or3A_159 = arith.constant 0.000000e+00 : f32
      %reduce_or3A_160 = vector.broadcast %reduce_or3A : f32 to vector<1024x1xf32>
      %reduce_or3A_161 = vector.broadcast %reduce_or3A_159 : f32 to vector<1024x1xf32>
      %reduce_or3A_162 = arith.select %lt3A_158, %reduce_or3A_160, %reduce_or3A_161 : vector<1024x1xi1>, vector<1024x1xf32>
      %reduce_or3A_163 = vector.shape_cast %reduce_or3A_162 : vector<1024x1xf32> to vector<1x1024x1xf32>
      %reduce_or3A_164 = arith.constant dense<0xFF800000> : vector<1xf32>
      %reduce_or3A_165 = vector.multi_reduction <maximumf>, %reduce_or3A_163, %reduce_or3A_164 [1, 2] : vector<1x1024x1xf32> to vector<1xf32>
      %reduce_or3A_166 = vector.shape_cast %reduce_or3A_165 : vector<1xf32> to vector<1x1x1xf32>
      %reduce_or3A_167 = vector.extract %reduce_or3A_166[0, 0, 0] : f32 from vector<1x1x1xf32>
      %reduce_or3A_168 = arith.constant 0.000000e+00 : f32
      %reduce_or3A_169 = arith.cmpf ogt, %reduce_or3A_167, %reduce_or3A_168 : f32
      %convert_element_type3A_170 = arith.extui %reduce_or3A_169 : i1 to i32
      %cond3A_171 = arith.constant 0 : i32
      %cond3A_172 = arith.cmpi ne, %convert_element_type3A_170, %cond3A_171 : i32
      scf.if %cond3A_172 {
        %get3A_177 = arith.constant 0 : index
        %get3A_178 = arith.constant 0 : index
        %get3A_179 = vector.load %arg6[%get3A_177, %get3A_178] : memref<1024x2048xf32, #tpu.memory_space<vmem>>, vector<1024x2048xf32>
        %eq3A_180 = vector.broadcast %get3A_154 : vector<1024x1xf32> to vector<1024x2048xf32>
        %eq3A_181 = arith.cmpf oeq, %get3A_179, %eq3A_180 : vector<1024x2048xf32>
        %jit3A_182 = arith.constant 0x7F800000 : f32
        %broadcast_in_dim3A_183 = vector.broadcast %jit3A_182 : f32 to vector<1024x2048xf32>
        %select_n3A_184 = arith.select %eq3A_181, %convert_element_type3A, %broadcast_in_dim3A_183 : vector<1024x2048xi1>, vector<1024x2048xf32>
        %reduce_min3A_185 = arith.constant dense<0x7F800000> : vector<1024xf32>
        %reduce_min3A_186 = vector.multi_reduction <minimumf>, %select_n3A_184, %reduce_min3A_185 [1] : vector<1024x2048xf32> to vector<1024xf32>
        %broadcast_in_dim3A_187 = vector.shape_cast %reduce_min3A_186 : vector<1024xf32> to vector<1024x1xf32>
        %eq3A_188 = vector.broadcast %broadcast_in_dim3A_187 : vector<1024x1xf32> to vector<1024x2048xf32>
        %eq3A_189 = arith.cmpf oeq, %convert_element_type3A, %eq3A_188 : vector<1024x2048xf32>
        %jit3A_190 = arith.constant 0x7F800000 : f32
        %broadcast_in_dim3A_191 = vector.broadcast %jit3A_190 : f32 to vector<1024x2048xf32>
        %select_n3A_192 = arith.select %eq3A_189, %broadcast_in_dim3A_191, %get3A_179 : vector<1024x2048xi1>, vector<1024x2048xf32>
        %swap3A_193 = arith.constant 0 : index
        %swap3A_194 = arith.constant 0 : index
        %swap3A_195 = vector.load %arg6[%swap3A_193, %swap3A_194] : memref<1024x2048xf32, #tpu.memory_space<vmem>>, vector<1024x2048xf32>
        tpu.vector_store %arg6[%swap3A_193, %swap3A_194], %select_n3A_192 {strides = array<i32>} : memref<1024x2048xf32, #tpu.memory_space<vmem>>, vector<1024x2048xf32>,
        %reduce_min3A_196 = arith.constant dense<0x7F800000> : vector<1024xf32>
        %reduce_min3A_197 = vector.multi_reduction <minimumf>, %select_n3A_192, %reduce_min3A_196 [1] : vector<1024x2048xf32> to vector<1024xf32>
        %broadcast_in_dim3A_198 = vector.shape_cast %reduce_min3A_197 : vector<1024xf32> to vector<1024x1xf32>
        %swap3A_199 = arith.constant 0 : index
        %swap3A_200 = arith.constant 0 : index
        %swap3A_201 = vector.load %arg9[%swap3A_199, %swap3A_200] : memref<1024x1xf32, #tpu.memory_space<vmem>>, vector<1024x1xf32>
        tpu.vector_store %arg9[%swap3A_199, %swap3A_200], %broadcast_in_dim3A_198 {strides = array<i32>} : memref<1024x1xf32, #tpu.memory_space<vmem>>, vector<1024x1xf32>,
        %add3A_202 = vector.broadcast %convert_element_type3A_19 : f32 to vector<1024x1xf32>
        %add3A_203 = arith.addf %broadcast_in_dim3A_187, %add3A_202 : vector<1024x1xf32>
        %get3A_204 = arith.constant 0 : index
        %get3A_205 = arith.constant 0 : index
        %get3A_206 = vector.load %arg7[%get3A_204, %get3A_205] : memref<1024x8xf32, #tpu.memory_space<vmem>>, vector<1024x8xf32>
        %get3A_207 = arith.constant 0 : index
        %get3A_208 = arith.constant 0 : index
        %get3A_209 = vector.load %arg8[%get3A_207, %get3A_208] : memref<1024x8xf32, #tpu.memory_space<vmem>>, vector<1024x8xf32>
        %lt3A_210 = vector.broadcast %get3A_154 : vector<1024x1xf32> to vector<1024x8xf32>
        %lt3A_211 = arith.cmpf olt, %lt3A_210, %get3A_206 : vector<1024x8xf32>
        %broadcast_in_dim3A_212 = arith.constant 0xFF800000 : f32
        %broadcast_in_dim3A_213 = vector.broadcast %broadcast_in_dim3A_212 : f32 to vector<1024x1xf32>
        %slice3A_214 = vector.extract_strided_slice %get3A_206 {offsets = [0, 0], sizes = [1024, 7], strides = [1, 1]} : vector<1024x8xf32> to vector<1024x7xf32>
        %concatenate3A_215 = tpu.concatenate %broadcast_in_dim3A_213, %slice3A_214 in 1 : vector<1024x1xf32>, vector<1024x7xf32> -> vector<1024x8xf32>
        %lt3A_216 = vector.broadcast %get3A_154 : vector<1024x1xf32> to vector<1024x8xf32>
        %lt3A_217 = arith.cmpf olt, %lt3A_216, %concatenate3A_215 : vector<1024x8xf32>
        %slice3A_218 = vector.extract_strided_slice %get3A_209 {offsets = [0, 0], sizes = [1024, 1], strides = [1, 1]} : vector<1024x8xf32> to vector<1024x1xf32>
        %slice3A_219 = vector.extract_strided_slice %get3A_209 {offsets = [0, 0], sizes = [1024, 7], strides = [1, 1]} : vector<1024x8xf32> to vector<1024x7xf32>
        %concatenate3A_220 = tpu.concatenate %slice3A_218, %slice3A_219 in 1 : vector<1024x1xf32>, vector<1024x7xf32> -> vector<1024x8xf32>
        %broadcast_in_dim3A_221 = vector.shape_cast %get3A_154 : vector<1024x1xf32> to vector<1024x1xf32>
        %broadcast_in_dim3A_222 = vector.broadcast %broadcast_in_dim3A_221 : vector<1024x1xf32> to vector<1024x8xf32>
        %broadcast_in_dim3A_223 = vector.shape_cast %add3A_203 : vector<1024x1xf32> to vector<1024x1xf32>
        %broadcast_in_dim3A_224 = vector.broadcast %broadcast_in_dim3A_223 : vector<1024x1xf32> to vector<1024x8xf32>
        %select_n3A_225 = arith.select %lt3A_211, %broadcast_in_dim3A_222, %get3A_206 : vector<1024x8xi1>, vector<1024x8xf32>
        %select_n3A_226 = arith.select %lt3A_217, %concatenate3A_215, %select_n3A_225 : vector<1024x8xi1>, vector<1024x8xf32>
        %swap3A_227 = arith.constant 0 : index
        %swap3A_228 = arith.constant 0 : index
        %swap3A_229 = vector.load %arg7[%swap3A_227, %swap3A_228] : memref<1024x8xf32, #tpu.memory_space<vmem>>, vector<1024x8xf32>
        tpu.vector_store %arg7[%swap3A_227, %swap3A_228], %select_n3A_226 {strides = array<i32>} : memref<1024x8xf32, #tpu.memory_space<vmem>>, vector<1024x8xf32>,
        %select_n3A_230 = arith.select %lt3A_211, %broadcast_in_dim3A_224, %get3A_209 : vector<1024x8xi1>, vector<1024x8xf32>
        %select_n3A_231 = arith.select %lt3A_217, %concatenate3A_220, %select_n3A_230 : vector<1024x8xi1>, vector<1024x8xf32>
        %swap3A_232 = arith.constant 0 : index
        %swap3A_233 = arith.constant 0 : index
        %swap3A_234 = vector.load %arg8[%swap3A_232, %swap3A_233] : memref<1024x8xf32, #tpu.memory_space<vmem>>, vector<1024x8xf32>
        tpu.vector_store %arg8[%swap3A_232, %swap3A_233], %select_n3A_231 {strides = array<i32>} : memref<1024x8xf32, #tpu.memory_space<vmem>>, vector<1024x8xf32>,
      } else {
      }
      %not3A = arith.constant true
      %not3A_173 = arith.xori %reduce_or3A_169, %not3A : i1
      %convert_element_type3A_174 = arith.extui %not3A_173 : i1 to i32
      %cond3A_175 = arith.constant 0 : i32
      %cond3A_176 = arith.cmpi ne, %convert_element_type3A_174, %cond3A_175 : i32
      scf.if %cond3A_176 {
        %swap3A_177 = arith.constant 0 : i32
        %swap3A_178 = arith.constant 0 : index
        %swap3A_179 = memref.load %arg10[%swap3A_178] : memref<1xi32, #tpu.memory_space<smem>>
        memref.store %swap3A_177, %arg10[%swap3A_178] : memref<1xi32, #tpu.memory_space<smem>>
      } else {
      }
    } else {
    }
    %get3A_140 = arith.constant 0 : index
    %get3A_141 = memref.load %arg10[%get3A_140] : memref<1xi32, #tpu.memory_space<smem>>
    %eq3A_142 = arith.constant 1 : i32
    %eq3A_143 = arith.cmpi eq, %get3A_141, %eq3A_142 : i32
    %convert_element_type3A_144 = arith.extui %eq3A_143 : i1 to i32
    %cond3A_145 = arith.constant 0 : i32
    %cond3A_146 = arith.cmpi ne, %convert_element_type3A_144, %cond3A_145 : i32
    scf.if %cond3A_146 {
      %get3A_152 = arith.constant 0 : index
      %get3A_153 = arith.constant 0 : index
      %get3A_154 = vector.load %arg9[%get3A_152, %get3A_153] : memref<1024x1xf32, #tpu.memory_space<vmem>>, vector<1024x1xf32>
      %get3A_155 = arith.constant 0 : index
      %get3A_156 = arith.constant 4 : index
      %get3A_157 = vector.load %arg7[%get3A_155, %get3A_156] : memref<1024x8xf32, #tpu.memory_space<vmem>>, vector<1024x1xf32>
      %lt3A_158 = arith.cmpf olt, %get3A_154, %get3A_157 : vector<1024x1xf32>
      %reduce_or3A = arith.constant 1.000000e+00 : f32
      %reduce_or3A_159 = arith.constant 0.000000e+00 : f32
      %reduce_or3A_160 = vector.broadcast %reduce_or3A : f32 to vector<1024x1xf32>
      %reduce_or3A_161 = vector.broadcast %reduce_or3A_159 : f32 to vector<1024x1xf32>
      %reduce_or3A_162 = arith.select %lt3A_158, %reduce_or3A_160, %reduce_or3A_161 : vector<1024x1xi1>, vector<1024x1xf32>
      %reduce_or3A_163 = vector.shape_cast %reduce_or3A_162 : vector<1024x1xf32> to vector<1x1024x1xf32>
      %reduce_or3A_164 = arith.constant dense<0xFF800000> : vector<1xf32>
      %reduce_or3A_165 = vector.multi_reduction <maximumf>, %reduce_or3A_163, %reduce_or3A_164 [1, 2] : vector<1x1024x1xf32> to vector<1xf32>
      %reduce_or3A_166 = vector.shape_cast %reduce_or3A_165 : vector<1xf32> to vector<1x1x1xf32>
      %reduce_or3A_167 = vector.extract %reduce_or3A_166[0, 0, 0] : f32 from vector<1x1x1xf32>
      %reduce_or3A_168 = arith.constant 0.000000e+00 : f32
      %reduce_or3A_169 = arith.cmpf ogt, %reduce_or3A_167, %reduce_or3A_168 : f32
      %convert_element_type3A_170 = arith.extui %reduce_or3A_169 : i1 to i32
      %cond3A_171 = arith.constant 0 : i32
      %cond3A_172 = arith.cmpi ne, %convert_element_type3A_170, %cond3A_171 : i32
      scf.if %cond3A_172 {
        %get3A_177 = arith.constant 0 : index
        %get3A_178 = arith.constant 0 : index
        %get3A_179 = vector.load %arg6[%get3A_177, %get3A_178] : memref<1024x2048xf32, #tpu.memory_space<vmem>>, vector<1024x2048xf32>
        %eq3A_180 = vector.broadcast %get3A_154 : vector<1024x1xf32> to vector<1024x2048xf32>
        %eq3A_181 = arith.cmpf oeq, %get3A_179, %eq3A_180 : vector<1024x2048xf32>
        %jit3A_182 = arith.constant 0x7F800000 : f32
        %broadcast_in_dim3A_183 = vector.broadcast %jit3A_182 : f32 to vector<1024x2048xf32>
        %select_n3A_184 = arith.select %eq3A_181, %convert_element_type3A, %broadcast_in_dim3A_183 : vector<1024x2048xi1>, vector<1024x2048xf32>
        %reduce_min3A_185 = arith.constant dense<0x7F800000> : vector<1024xf32>
        %reduce_min3A_186 = vector.multi_reduction <minimumf>, %select_n3A_184, %reduce_min3A_185 [1] : vector<1024x2048xf32> to vector<1024xf32>
        %broadcast_in_dim3A_187 = vector.shape_cast %reduce_min3A_186 : vector<1024xf32> to vector<1024x1xf32>
        %add3A_188 = vector.broadcast %convert_element_type3A_19 : f32 to vector<1024x1xf32>
        %add3A_189 = arith.addf %broadcast_in_dim3A_187, %add3A_188 : vector<1024x1xf32>
        %get3A_190 = arith.constant 0 : index
        %get3A_191 = arith.constant 0 : index
        %get3A_192 = vector.load %arg7[%get3A_190, %get3A_191] : memref<1024x8xf32, #tpu.memory_space<vmem>>, vector<1024x8xf32>
        %get3A_193 = arith.constant 0 : index
        %get3A_194 = arith.constant 0 : index
        %get3A_195 = vector.load %arg8[%get3A_193, %get3A_194] : memref<1024x8xf32, #tpu.memory_space<vmem>>, vector<1024x8xf32>
        %lt3A_196 = vector.broadcast %get3A_154 : vector<1024x1xf32> to vector<1024x8xf32>
        %lt3A_197 = arith.cmpf olt, %lt3A_196, %get3A_192 : vector<1024x8xf32>
        %broadcast_in_dim3A_198 = arith.constant 0xFF800000 : f32
        %broadcast_in_dim3A_199 = vector.broadcast %broadcast_in_dim3A_198 : f32 to vector<1024x1xf32>
        %slice3A_200 = vector.extract_strided_slice %get3A_192 {offsets = [0, 0], sizes = [1024, 7], strides = [1, 1]} : vector<1024x8xf32> to vector<1024x7xf32>
        %concatenate3A_201 = tpu.concatenate %broadcast_in_dim3A_199, %slice3A_200 in 1 : vector<1024x1xf32>, vector<1024x7xf32> -> vector<1024x8xf32>
        %lt3A_202 = vector.broadcast %get3A_154 : vector<1024x1xf32> to vector<1024x8xf32>
        %lt3A_203 = arith.cmpf olt, %lt3A_202, %concatenate3A_201 : vector<1024x8xf32>
        %slice3A_204 = vector.extract_strided_slice %get3A_195 {offsets = [0, 0], sizes = [1024, 1], strides = [1, 1]} : vector<1024x8xf32> to vector<1024x1xf32>
        %slice3A_205 = vector.extract_strided_slice %get3A_195 {offsets = [0, 0], sizes = [1024, 7], strides = [1, 1]} : vector<1024x8xf32> to vector<1024x7xf32>
        %concatenate3A_206 = tpu.concatenate %slice3A_204, %slice3A_205 in 1 : vector<1024x1xf32>, vector<1024x7xf32> -> vector<1024x8xf32>
        %broadcast_in_dim3A_207 = vector.shape_cast %get3A_154 : vector<1024x1xf32> to vector<1024x1xf32>
        %broadcast_in_dim3A_208 = vector.broadcast %broadcast_in_dim3A_207 : vector<1024x1xf32> to vector<1024x8xf32>
        %broadcast_in_dim3A_209 = vector.shape_cast %add3A_189 : vector<1024x1xf32> to vector<1024x1xf32>
        %broadcast_in_dim3A_210 = vector.broadcast %broadcast_in_dim3A_209 : vector<1024x1xf32> to vector<1024x8xf32>
        %select_n3A_211 = arith.select %lt3A_197, %broadcast_in_dim3A_208, %get3A_192 : vector<1024x8xi1>, vector<1024x8xf32>
        %select_n3A_212 = arith.select %lt3A_203, %concatenate3A_201, %select_n3A_211 : vector<1024x8xi1>, vector<1024x8xf32>
        %swap3A_213 = arith.constant 0 : index
        %swap3A_214 = arith.constant 0 : index
        %swap3A_215 = vector.load %arg7[%swap3A_213, %swap3A_214] : memref<1024x8xf32, #tpu.memory_space<vmem>>, vector<1024x8xf32>
        tpu.vector_store %arg7[%swap3A_213, %swap3A_214], %select_n3A_212 {strides = array<i32>} : memref<1024x8xf32, #tpu.memory_space<vmem>>, vector<1024x8xf32>,
        %select_n3A_216 = arith.select %lt3A_197, %broadcast_in_dim3A_210, %get3A_195 : vector<1024x8xi1>, vector<1024x8xf32>
        %select_n3A_217 = arith.select %lt3A_203, %concatenate3A_206, %select_n3A_216 : vector<1024x8xi1>, vector<1024x8xf32>
        %swap3A_218 = arith.constant 0 : index
        %swap3A_219 = arith.constant 0 : index
        %swap3A_220 = vector.load %arg8[%swap3A_218, %swap3A_219] : memref<1024x8xf32, #tpu.memory_space<vmem>>, vector<1024x8xf32>
        tpu.vector_store %arg8[%swap3A_218, %swap3A_219], %select_n3A_217 {strides = array<i32>} : memref<1024x8xf32, #tpu.memory_space<vmem>>, vector<1024x8xf32>,
      } else {
      }
      %not3A = arith.constant true
      %not3A_173 = arith.xori %reduce_or3A_169, %not3A : i1
      %convert_element_type3A_174 = arith.extui %not3A_173 : i1 to i32
      %cond3A_175 = arith.constant 0 : i32
      %cond3A_176 = arith.cmpi ne, %convert_element_type3A_174, %cond3A_175 : i32
      scf.if %cond3A_176 {
        %swap3A_177 = arith.constant 0 : i32
        %swap3A_178 = arith.constant 0 : index
        %swap3A_179 = memref.load %arg10[%swap3A_178] : memref<1xi32, #tpu.memory_space<smem>>
        memref.store %swap3A_177, %arg10[%swap3A_178] : memref<1xi32, #tpu.memory_space<smem>>
      } else {
      }
    } else {
    }
    %eq3A_147 = arith.constant 48 : i32
    %eq3A_148 = arith.cmpi eq, %arg1, %eq3A_147 : i32
    %convert_element_type3A_149 = arith.extui %eq3A_148 : i1 to i32
    %cond3A_150 = arith.constant 0 : i32
    %cond3A_151 = arith.cmpi ne, %convert_element_type3A_149, %cond3A_150 : i32
    scf.if %cond3A_151 {
      %get3A_152 = arith.constant 0 : index
      %get3A_153 = arith.constant 0 : index
      %get3A_154 = arith.constant 0 : index
      %get3A_155 = vector.load %arg4[%get3A_152, %get3A_153, %get3A_154] : memref<1x1024x1xi32, #tpu.memory_space<vmem>>, vector<1x1024x1xi32>
      %get3A_156 = vector.shape_cast %get3A_155 : vector<1x1024x1xi32> to vector<1024x1xi32>
      %get3A_157 = arith.constant 0 : index
      %get3A_158 = arith.constant 0 : index
      %get3A_159 = vector.load %arg8[%get3A_157, %get3A_158] : memref<1024x8xf32, #tpu.memory_space<vmem>>, vector<1024x1xf32>
      %eq3A_160 = arith.constant 1 : i32
      %eq3A_161 = vector.broadcast %eq3A_160 : i32 to vector<1024x1xi32>
      %eq3A_162 = arith.cmpi eq, %get3A_156, %eq3A_161 : vector<1024x1xi32>
      %get3A_163 = arith.constant 0 : index
      %get3A_164 = arith.constant 1 : index
      %get3A_165 = vector.load %arg8[%get3A_163, %get3A_164] : memref<1024x8xf32, #tpu.memory_space<vmem>>, vector<1024x1xf32>
      %select_n3A_166 = arith.select %eq3A_162, %get3A_165, %get3A_159 : vector<1024x1xi1>, vector<1024x1xf32>
      %eq3A_167 = arith.constant 2 : i32
      %eq3A_168 = vector.broadcast %eq3A_167 : i32 to vector<1024x1xi32>
      %eq3A_169 = arith.cmpi eq, %get3A_156, %eq3A_168 : vector<1024x1xi32>
      %get3A_170 = arith.constant 0 : index
      %get3A_171 = arith.constant 2 : index
      %get3A_172 = vector.load %arg8[%get3A_170, %get3A_171] : memref<1024x8xf32, #tpu.memory_space<vmem>>, vector<1024x1xf32>
      %select_n3A_173 = arith.select %eq3A_169, %get3A_172, %select_n3A_166 : vector<1024x1xi1>, vector<1024x1xf32>
      %eq3A_174 = arith.constant 3 : i32
      %eq3A_175 = vector.broadcast %eq3A_174 : i32 to vector<1024x1xi32>
      %eq3A_176 = arith.cmpi eq, %get3A_156, %eq3A_175 : vector<1024x1xi32>
      %get3A_177 = arith.constant 0 : index
      %get3A_178 = arith.constant 3 : index
      %get3A_179 = vector.load %arg8[%get3A_177, %get3A_178] : memref<1024x8xf32, #tpu.memory_space<vmem>>, vector<1024x1xf32>
      %select_n3A_180 = arith.select %eq3A_176, %get3A_179, %select_n3A_173 : vector<1024x1xi1>, vector<1024x1xf32>
      %eq3A_181 = arith.constant 4 : i32
      %eq3A_182 = vector.broadcast %eq3A_181 : i32 to vector<1024x1xi32>
      %eq3A_183 = arith.cmpi eq, %get3A_156, %eq3A_182 : vector<1024x1xi32>
      %get3A_184 = arith.constant 0 : index
      %get3A_185 = arith.constant 4 : index
      %get3A_186 = vector.load %arg8[%get3A_184, %get3A_185] : memref<1024x8xf32, #tpu.memory_space<vmem>>, vector<1024x1xf32>
      %select_n3A_187 = arith.select %eq3A_183, %get3A_186, %select_n3A_180 : vector<1024x1xi1>, vector<1024x1xf32>
      %convert_element_type3A_188 = arith.fptosi %select_n3A_187 : vector<1024x1xf32> to vector<1024x1xi32>
      %swap3A_189 = arith.constant 0 : index
      %swap3A_190 = arith.constant 0 : index
      %swap3A_191 = arith.constant 0 : index
      %swap3A_192 = vector.load %arg5[%swap3A_189, %swap3A_190, %swap3A_191] : memref<1x1024x1xi32, #tpu.memory_space<vmem>>, vector<1x1024x1xi32>
      %swap3A_193 = vector.shape_cast %swap3A_192 : vector<1x1024x1xi32> to vector<1024x1xi32>
      %swap3A_194 = vector.shape_cast %convert_element_type3A_188 : vector<1024x1xi32> to vector<1x1024x1xi32>
      tpu.vector_store %arg5[%swap3A_189, %swap3A_190, %swap3A_191], %swap3A_194 {strides = array<i32>} : memref<1x1024x1xi32, #tpu.memory_space<vmem>>, vector<1x1024x1xi32>,
    } else {
    }
    return
  }
  func.func @transform_0(%arg0: i32, %arg1: i32) -> (i32, i32) {
    %c0_i32 = arith.constant 0 : i32
    %c0_i32_0 = arith.constant 0 : i32
    return %arg0, %c0_i32 : i32, i32
  }
  func.func @transform_1(%arg0: i32, %arg1: i32) -> (i32, i32) {
    %c0_i32 = arith.constant 0 : i32
    %c0_i32_0 = arith.constant 0 : i32
    return %c0_i32, %arg1 : i32, i32
  }
  func.func @transform_2(%arg0: i32, %arg1: i32) -> (i32, i32, i32) {
    %c0_i32 = arith.constant 0 : i32
    %c0_i32_0 = arith.constant 0 : i32
    %c0_i32_1 = arith.constant 0 : i32
    return %arg0, %c0_i32, %c0_i32_0 : i32, i32, i32
  }
  func.func @transform_3(%arg0: i32, %arg1: i32) -> (i32, i32, i32) {
    %c0_i32 = arith.constant 0 : i32
    %c0_i32_0 = arith.constant 0 : i32
    %c0_i32_1 = arith.constant 0 : i32
    return %arg0, %c0_i32, %c0_i32_0 : i32, i32, i32
  }
}

module attributes {stable_mosaic.version = 14 : i64} {
  func.func @_mlp_body(%arg0: memref<1024x32xf32, #tpu.memory_space<vmem>>, %arg1: memref<32x512xf32, #tpu.memory_space<vmem>>, %arg2: memref<1x512xf32, #tpu.memory_space<vmem>>, %arg3: memref<512x32xf32, #tpu.memory_space<vmem>>, %arg4: memref<1x32xf32, #tpu.memory_space<vmem>>, %arg5: memref<512x32xf32, #tpu.memory_space<vmem>>, %arg6: memref<1x32xf32, #tpu.memory_space<vmem>>, %arg7: memref<1024x32xf32, #tpu.memory_space<vmem>>, %arg8: memref<1024x32xf32, #tpu.memory_space<vmem>>) attributes {dimension_semantics = [], scalar_prefetch = 0 : i64, scratch_operands = 0 : i64, tpu.core_type = #tpu.core_type<tc>} {
    %get3A = arith.constant 0 : index
    %get3A_0 = arith.constant 0 : index
    %get3A_1 = vector.load %arg0[%get3A, %get3A_0] : memref<1024x32xf32, #tpu.memory_space<vmem>>, vector<1024x32xf32>
    %get3A_2 = arith.constant 0 : index
    %get3A_3 = arith.constant 0 : index
    %get3A_4 = vector.load %arg1[%get3A_2, %get3A_3] : memref<32x512xf32, #tpu.memory_space<vmem>>, vector<32x512xf32>
    %dot_general3A = arith.constant dense<0.000000e+00> : vector<1024x512xf32>
    %dot_general3A_5 = tpu.matmul %get3A_1, %get3A_4, %dot_general3A {dimension_numbers = #tpu.dot_dimension_numbers<[1], [0], [0], [1], [0, 0, 1, 1], [], []>, transpose_lhs_hint = false} : vector<1024x32xf32>, vector<32x512xf32>, vector<1024x512xf32> -> vector<1024x512xf32>
    %get3A_6 = arith.constant 0 : index
    %get3A_7 = arith.constant 0 : index
    %get3A_8 = vector.load %arg2[%get3A_6, %get3A_7] : memref<1x512xf32, #tpu.memory_space<vmem>>, vector<1x512xf32>
    %add3A = vector.broadcast %get3A_8 : vector<1x512xf32> to vector<1024x512xf32>
    %add3A_9 = arith.addf %dot_general3A_5, %add3A : vector<1024x512xf32>
    %max3A = arith.constant 0.000000e+00 : f32
    %max3A_10 = vector.broadcast %max3A : f32 to vector<1024x512xf32>
    %max3A_11 = arith.maximumf %add3A_9, %max3A_10 : vector<1024x512xf32>
    %get3A_12 = arith.constant 0 : index
    %get3A_13 = arith.constant 0 : index
    %get3A_14 = vector.load %arg3[%get3A_12, %get3A_13] : memref<512x32xf32, #tpu.memory_space<vmem>>, vector<512x32xf32>
    %dot_general3A_15 = arith.constant dense<0.000000e+00> : vector<1024x32xf32>
    %dot_general3A_16 = tpu.matmul %max3A_11, %get3A_14, %dot_general3A_15 {dimension_numbers = #tpu.dot_dimension_numbers<[1], [0], [0], [1], [0, 0, 1, 1], [], []>, transpose_lhs_hint = false} : vector<1024x512xf32>, vector<512x32xf32>, vector<1024x32xf32> -> vector<1024x32xf32>
    %get3A_17 = arith.constant 0 : index
    %get3A_18 = arith.constant 0 : index
    %get3A_19 = vector.load %arg4[%get3A_17, %get3A_18] : memref<1x32xf32, #tpu.memory_space<vmem>>, vector<1x32xf32>
    %add3A_20 = vector.broadcast %get3A_19 : vector<1x32xf32> to vector<1024x32xf32>
    %add3A_21 = arith.addf %dot_general3A_16, %add3A_20 : vector<1024x32xf32>
    %swap3A = arith.constant 0 : index
    %swap3A_22 = arith.constant 0 : index
    %swap3A_23 = vector.load %arg7[%swap3A, %swap3A_22] : memref<1024x32xf32, #tpu.memory_space<vmem>>, vector<1024x32xf32>
    tpu.vector_store %arg7[%swap3A, %swap3A_22], %add3A_21 {strides = array<i32>} : memref<1024x32xf32, #tpu.memory_space<vmem>>, vector<1024x32xf32>,
    %get3A_24 = arith.constant 0 : index
    %get3A_25 = arith.constant 0 : index
    %get3A_26 = vector.load %arg5[%get3A_24, %get3A_25] : memref<512x32xf32, #tpu.memory_space<vmem>>, vector<512x32xf32>
    %dot_general3A_27 = arith.constant dense<0.000000e+00> : vector<1024x32xf32>
    %dot_general3A_28 = tpu.matmul %max3A_11, %get3A_26, %dot_general3A_27 {dimension_numbers = #tpu.dot_dimension_numbers<[1], [0], [0], [1], [0, 0, 1, 1], [], []>, transpose_lhs_hint = false} : vector<1024x512xf32>, vector<512x32xf32>, vector<1024x32xf32> -> vector<1024x32xf32>
    %get3A_29 = arith.constant 0 : index
    %get3A_30 = arith.constant 0 : index
    %get3A_31 = vector.load %arg6[%get3A_29, %get3A_30] : memref<1x32xf32, #tpu.memory_space<vmem>>, vector<1x32xf32>
    %add3A_32 = vector.broadcast %get3A_31 : vector<1x32xf32> to vector<1024x32xf32>
    %add3A_33 = arith.addf %dot_general3A_28, %add3A_32 : vector<1024x32xf32>
    %swap3A_34 = arith.constant 0 : index
    %swap3A_35 = arith.constant 0 : index
    %swap3A_36 = vector.load %arg8[%swap3A_34, %swap3A_35] : memref<1024x32xf32, #tpu.memory_space<vmem>>, vector<1024x32xf32>
    tpu.vector_store %arg8[%swap3A_34, %swap3A_35], %add3A_33 {strides = array<i32>} : memref<1024x32xf32, #tpu.memory_space<vmem>>, vector<1024x32xf32>,
    return
  }
}

</mosaic_0001>

<sc_bundles>
// kernel: kernel.5.cloned.1.call-start
scs
__scs_entry_jumppad:
0x0: {  	(pc) =	sbr.rel $0x88, $3  }
0x1: {  	(tag) =	ssettag $0x0;
	lr =	simm.s32 $0x1  }
0x2: {  	[smem:$0x3F99] =	sst lr;
	_ =	strace $0xD0000000  }
0x3: {  	_ = 	snop  }
0x4: {  	_ = 	snop  }
0x5: {  	_ = 	snop  }
0x6: {  	_ = 	snop  }
0x7: {  	_ = 	snop  }
__scs_overlays_trampoline_lowered:
0x8: {  	[smem:$0x3FA8] =	sst s0  }
0x9: {  	[smem:$0x3FA9] =	sst s1  }
0xa: {  	[smem:$0x3FAA] =	sst s2  }
0xb: {  	[smem:$0x3FAB] =	sst s3  }
0xc: {  	[smem:$0x3FAC] =	sst s4  }
0xd: {  	[smem:$0x3FAD] =	sst s5  }
0xe: {  	[smem:$0x3FAE] =	sst s6  }
0xf: {  	[smem:$0x3FAF] =	sst s7  }
0x10: {  	[smem:$0x3FB0] =	sst s8  }
0x11: {  	[smem:$0x3FB1] =	sst s9;
	s0 =	simm.s32 @!p0 $0x0  }
0x12: {  	s1 =	sld [smem:$0x3F97];
	s0 =	simm.s32 @p0 $0x1  }
0x13: {  	[smem:$0x3FB2] =	sst s0;
	s0 =	simm.s32 @!p1 $0x0  }
0x14: {  	s2 =	sld [smem:$0x3F96];
	s0 =	simm.s32 @p1 $0x1  }
0x15: {  	[smem:$0x3FB3] =	sst s0;
	s0 =	simm.s32 @!p2 $0x0  }
0x16: {  	s3 =	sld [smem:$0x3FDB];
	s0 =	simm.s32 @p2 $0x1  }
0x17: {  	s4 =	simm.s32 $0x1BF5;
	[smem:$0x3FB5] =	sst s0  }
0x18: {  	s0 =	sld [smem:$0x3F98];
	_ =	swait.ge [sflag:s4], $0x0  }
0x19: {  	s7 =	sld [smem:$0x3F99]  }
0x1a: {  	s8 =	sadd.s32 $0xFFFFE003, lr  }
0x1b: {  	s9 =	sadd.s32 $0xFFFFFEF7, lr;
	s5 =	simm.s32 $0xFFFFFFFF;
	p2 =	slt.u32 s8, $0xFFFFF086  }
0x1c: {  	p1 =	slt.u32 s9, $0xF7A;
	s5 =	simm.s32 @!p2 $0x0  }
0x1d: {  	s5 =	simm.s32 @p1 $0x1;
	p0 =	seq.s32 s7, s2  }
0x1e: {  	s7 =	smul.u32 @!p0 $0xF7A, s2;
	p2 =	seq.s32 @!p0 s5, $0x0  }
0x1f: {  	s9 =	smul.u32 $0xF7A, s1;
	s8 =	simm.s32 @!p0 $0x1BF5;
	p2 =	por !p2, p0  }
0x20: {  	[sflag:s8] =	ssyncset.s32 @!p0 $0xFFFFF086;
	s6 =	sadd.s32 @!p0 s3, s7;
	s7 =	simm.s32 @!p0 $0x108  }
0x21: {  	s3 =	sadd.s32 s3, s9;
	s6 =	sadd.s32 @!p0 $0x88, s6;
	s7 =	simm.s32 @p2 $0x1082  }
0x22: {  	[simem:s7], [sflag:s8] =	dma.local @!p0 [hbm:s6], $0xF7A  }
0x23: {  	s9 =	sor.u32 $0xD0000000, s2;
	s6 =	simm.s32 $0x108;
	_ =	swait.ge @!p0 [sflag:s8], $0x0  }
0x24: {  	s3 =	sadd.s32 $0x88, s3;
	s6 =	simm.s32 @!p1 $0x1082;
	[sflag:s4] =	ssyncset.s32 $0xFFFFF086  }
0x25: {  	[simem:s6], [sflag:s4] =	dma.local [hbm:s3], $0xF7A  }
0x26: {  	[smem:$0x3F99] =	sst s1;
	(tag) =	ssettag s2;
	_ =	strace s9  }
0x27: {  	s1 =	sld [smem:$0x3FA9]  }
0x28: {  	s2 =	sld [smem:$0x3FAA]  }
0x29: {  	s4 =	sld [smem:$0x3FAC]  }
0x2a: {  	p0 =	seq.s32 s5, $0x0;
	s5 =	sld [smem:$0x3FAD]  }
0x2b: {  	s6 =	sld [smem:$0x3FAE]  }
0x2c: {  	s7 =	sld [smem:$0x3FAF]  }
0x2d: {  	s3 =	simm.s32 $0x108;
	s8 =	sld [smem:$0x3FB0]  }
0x2e: {  	s3 =	simm.s32 @!p0 $0x1082;
	s9 =	sld [smem:$0x3FB1]  }
0x2f: {  	lr =	sadd.s32 s0, s3;
	s0 =	sld [smem:$0x3FA8]  }
0x30: {  	s3 =	sld [smem:$0x3FAB]  }
0x31: {  	[smem:$0x3FB4] =	sst s10  }
0x32: {  	s10 =	sld [smem:$0x3FB2];
	_ =	sdelay $0x3  }
0x33: {  	p0 =	seq.s32 s10, $0x1;
	s10 =	sld [smem:$0x3FB4];
	_ =	sdelay $0x3  }
0x34: {  	[smem:$0x3FB4] =	sst s10  }
0x35: {  	s10 =	sld [smem:$0x3FB3];
	_ =	sdelay $0x3  }
0x36: {  	p1 =	seq.s32 s10, $0x1;
	s10 =	sld [smem:$0x3FB4];
	_ =	sdelay $0x3  }
0x37: {  	[smem:$0x3FB4] =	sst s10  }
0x38: {  	s10 =	sld [smem:$0x3FB5]  }
0x39: {  	_ = 	snop;
	(pc) =	sbr.ind lr, $3  }
0x3a: {  	_ = 	snop  }
0x3b: {  	_ = 	snop  }
0x3c: {  	p2 =	seq.s32 s10, $0x1;
	s10 =	sld [smem:$0x3FB4]  }
0x3d: {  	_ =	shalt  }
0x3e: {  	_ =	shalt  }
0x3f: {  	_ =	shalt  }
0x40: {  	_ =	shalt  }
0x41: {  	_ =	shalt  }
0x42: {  	_ =	shalt  }
0x43: {  	_ =	shalt  }
0x44: {  	_ =	shalt  }
0x45: {  	_ =	shalt  }
0x46: {  	_ =	shalt  }
0x47: {  	_ =	shalt  }
0x48: {  	_ =	shalt  }
0x49: {  	_ =	shalt  }
0x4a: {  	_ =	shalt  }
0x4b: {  	_ =	shalt  }
0x4c: {  	_ =	shalt  }
0x4d: {  	_ =	shalt  }
0x4e: {  	_ =	shalt  }
0x4f: {  	_ =	shalt  }
0x50: {  	_ =	shalt  }
0x51: {  	_ =	shalt  }
0x52: {  	_ =	shalt  }
0x53: {  	_ =	shalt  }
0x54: {  	_ =	shalt  }
0x55: {  	_ =	shalt  }
0x56: {  	_ =	shalt  }
0x57: {  	_ =	shalt  }
0x58: {  	_ =	shalt  }
0x59: {  	_ =	shalt  }
0x5a: {  	_ =	shalt  }
0x5b: {  	_ =	shalt  }
0x5c: {  	_ =	shalt  }
0x5d: {  	_ =	shalt  }
0x5e: {  	_ =	shalt  }
0x5f: {  	_ =	shalt  }
0x60: {  	_ =	shalt  }
0x61: {  	_ =	shalt  }
0x62: {  	_ =	shalt  }
0x63: {  	_ =	shalt  }
0x64: {  	_ =	shalt  }
0x65: {  	_ =	shalt  }
0x66: {  	_ =	shalt  }
0x67: {  	_ =	shalt  }
0x68: {  	_ =	shalt  }
0x69: {  	_ =	shalt  }
0x6a: {  	_ =	shalt  }
0x6b: {  	_ =	shalt  }
0x6c: {  	_ =	shalt  }
0x6d: {  	_ =	shalt  }
0x6e: {  	_ =	shalt  }
0x6f: {  	_ =	shalt  }
0x70: {  	_ =	shalt  }
0x71: {  	_ =	shalt  }
0x72: {  	_ =	shalt  }
0x73: {  	_ =	shalt  }
0x74: {  	_ =	shalt  }
0x75: {  	_ =	shalt  }
0x76: {  	_ =	shalt  }
0x77: {  	_ =	shalt  }
0x78: {  	_ =	shalt  }
0x79: {  	_ =	shalt  }
0x7a: {  	_ =	shalt  }
0x7b: {  	_ =	shalt  }
0x7c: {  	_ =	shalt  }
0x7d: {  	_ =	shalt  }
0x7e: {  	_ =	shalt  }
0x7f: {  	_ =	shalt  }
0x80: {  	_ =	shalt  }
0x81: {  	_ =	shalt  }
0x82: {  	_ =	shalt  }
0x83: {  	_ =	shalt  }
0x84: {  	_ =	shalt  }
0x85: {  	_ =	shalt  }
0x86: {  	_ =	shalt  }
0x87: {  	_ =	shalt  }
.Lfunc_end0:
.L_simem_size_0:
called_computation_lowered:
.L_overlay_start_0:
0x88: {  	s2 =	sld [smem:$0x3FD9]  }
0x89: {  	s3 =	sld [smem:$0x3FFE];
	_ =	sdelay $0x1  }
0x8a: {  	s1 =	srdreg.scid  }
0x8b: {  	s0 =	sand.u32 $0x1, s1  }
0x8c: {  	s14 =	sshll.u32 s0, $0xA;
	s2 =	sadd.s32 s3, s2  }
0x8d: {  	s2 =	sadd.s32 s2, s14  }
0x8e: {  	[smem:$0x3FC0] =	sst s2  }
0x8f: {  	_ = 	snop  }
0x90: {  	s2 =	sld [smem:$0x3FD0];
	_ =	sdelay $0x2  }
0x91: {  	s15 =	simm.s32 $0xA;
	s4 =	simm.s32 $0x10  }
0x92: {  	[smem:s4], [sflag:s15] =	dma.local [hbm:s2], $0x1  }
0x93: {  	_ =	swait.eq [sflag:s15], $0x1  }
0x94: {  	[sflag:s15] =	ssyncset.done $0x0  }
0x95: {  	[sflag:s15] =	ssyncadd.s32 $0xFFFFFFFF  }
0x96: {  	s16 =	sld [smem:$0x11];
	(tm) =	ssettm $0x1  }
0x97: {  	s17 =	sld [smem:$0x3FFB];
	_ =	sdelay $0x3  }
0x98: {  	_ =	strace s17  }
0x99: {  	s3 =	sld [smem:$0x3FFC];
	_ =	sdelay $0x3  }
0x9a: {  	_ =	strace s3  }
0x9b: {  	s3 =	sld [smem:$0x3FFD];
	_ =	sdelay $0x3  }
0x9c: {  	_ =	strace s3  }
0x9d: {  	_ =	strace $0x8FFFFFFF  }
0x9e: {  	s18 =	sld [smem:$0x3FDB];
	_ =	sdelay $0x1  }
0x9f: {  	s19 =	simm.s32 $_scs_section_size  }
0xa0: {  	s5 =	simm.s32 $_size__tile_overlayer_lowered;
	s6 =	simm.s32 $_tile_overlayer_lowered  }
0xa1: {  	s22 =	simm.s32 $0x1BFF;
	s21 =	sshll.u32 s6, $0x1;
	s3 =	sadd.s32 s19, s18  }
0xa2: {  	s7 =	simm.s32 $0x0;
	s20 =	sshll.u32 s5, $0x1;
	s5 =	sadd.s32 s21, s3  }
0xa3: {  	[timem:s7], [sflag:s22] =	dma.local [hbm:s5], s20  }
0xa4: {  	_ =	swait.ge [sflag:s22], s20  }
0xa5: {  	s4 =	ssub.s32 $0x0, s20;
	[sflag:s22] =	ssyncset.done $0x0  }
0xa6: {  	[sflag:s22] =	ssyncadd.s32 s4;
	_ =	sdelay $0x1  }
0xa7: {  	s23 =	simm.s32 $0x1B8B  }
0xa8: {  	_ =	swait.ge [sflag:s23], $0x1  }
0xa9: {  	[sflag:s23] =	ssyncset.done $0x0  }
0xaa: {  	s25 =	simm.s32 $0x1B8E;
	s24 =	sld [smem:$0x3FFE];
	[sflag:s23] =	ssyncadd.s32 $0xFFFFFFFF  }
0xab: {  	s26 =	simm.s32 $execute0_lowered;
	[smem:$0x3FD2] =	sst s25  }
0xac: {  	s5 =	sshll.u32 s26, $0x1;
	_ =	strace $0x80000046;
	[dreg:$0x1] =	wrdreg $0xFFFFFFFF  }
0xad: {  	s28 =	simm.s32 $_size_execute0_lowered;
	s3 =	sadd.s32 s3, s5;
	[dreg:$0x0] =	wrdreg $0x0  }
0xae: {  	s5 =	sshll.u32 s28, $0x1;
	[dreg:$0x2] =	wrdreg s3  }
0xaf: {  	[dreg:$0x3] =	wrdreg s5  }
0xb0: {  	[dreg:$0x4] =	wrdreg $0xC0  }
0xb1: {  	_ =	task [dreg:s7], $0x5FFFF  }
0xb2: {  	[dreg:$0x1] =	wrdreg $0xFFFFFFFF  }
0xb3: {  	[dreg:$0x0] =	wrdreg $0x60  }
0xb4: {  	[dreg:$0x2] =	wrdreg s24  }
0xb5: {  	[dreg:$0x3] =	wrdreg s16  }
0xb6: {  	[dreg:$0x4] =	wrdreg $0x9  }
0xb7: {  	_ =	task.clear_ibuf [dreg:s7], $0x5FFFF;
	_ =	strace $0x90000046  }
0xb8: {  	s29 =	simm.s32 $0x9;
	_ =	strace $0x80000048  }
0xb9: {  	_ =	swait.ge [sflag:s29], $0x1  }
0xba: {  	[sflag:s29] =	ssyncadd.s32 $0xFFFFFFFF  }
0xbb: {  	_ =	strace $0x90000048  }
0xbc: {  	_ =	sfence  }
0xbd: {  	s30 =	sld [smem:$0x0];
	_ =	sdelay $0x2  }
0xbe: {  	s31 =	sshll.u32 s1, $0xD;
	s1 =	sshrl.u32 s1, $0x2  }
0xbf: {  	s3 =	sand.u32 $0x4000, s31;
	s1 =	sadd.s32 s1, s30  }
0xc0: {  	s0 =	sor.u32 s3, s0;
	s1 =	sshll.u32 s1, $0x11  }
0xc1: {  	s0 =	sor.u32 s1, s0  }
0xc2: {  	s0 =	sadd.s32 $0x8F2B, s0  }
0xc3: {  	[sflag:s0] =	ssyncadd.remote.s32 $0x1  }
0xc4: {  	_ =	sfence.sel $0xFFFF  }
0xc5: {  	[dreg:$0x0] =	wrdreg $0xFFFFFFFF;
	(pc) =	sbr.abs _section_cstart, $3  }
0xc6: {  	[dreg:$0x1] =	wrdreg $0xFFFFFFFF  }
0xc7: {  	_ =	task.clear_ibuf [dreg:s7], $0x2FFFF;
	_ =	strace $0x9FFFFFFF  }
0xc8: {  	(tm) =	ssettm $0x7FFFFFFF  }
0xc9: {  	_ =	shalt  }
tec
execute0_lowered:
.L_overlay_start_1:
0x0: {  	(tag) =	ssettag $0x1  }
0x1: {  	s1 =	srdreg.scid  }
0x2: {  	s8 =	rddreg [dreg:$0x0];
	s0 =	stileid.u32  }
0x3: {  	s3 =	rddreg [dreg:$0x1];
	s2 =	simm.s32 $0x0;
	s6 =	sand.u32 $0x1, s1  }
0x4: {  	s4 =	sshll.u32 s0, $0x6;
	s1 =	rddreg [dreg:$0x2];
	s5 =	sshll.u32 s6, $0x5  }
0x5: {  	s7 =	simm.s32 $0x1;
	[smem:$0x7FF] =	sst s2;
	s9 =	sor.u32 s5, s4  }
0x6: {  	_ =	strace $0x80000047;
	s10 =	ssub.s32 $0x2, s6;
	s4 =	sshrl.u32 s9, $0x3  }
0x7: {  	s6 =	simm.s32 $0x20;
	s4 =	sadd.s32 s3, s4;
	s3 =	simm.s32 $0x2  }
0x8: {  	[tilespmem:s2], [sflag:$0x2] =	stream.linear.gather [hbm4b:s4+s2], $0x20, $0x38;
	[tilespmem:$0x420] =	vst v63  }
0x9: {  	s5 =	sadd.s32 $0x2400, s8;
	s11 =	sshrl.u32 s10, $0x1;
	_ =	swait.ge [sflag:s3], $0x20  }
0xa: {  	s9 =	sshll.u32 s9, $0x2;
	s31 =	ssub.s32 s10, s11;
	[sflag:s3] =	ssyncset.done $0x0  }
0xb: {  	s8 =	sadd.s32 s9, s8;
	s9 =	smax.u32 s31, $0x1;
	[sflag:s3] =	ssyncadd.s32 $0xFFFFFFE0  }
0xc: {  	[tilespmem:s6], [sflag:$0x1] =	stream.indirect.gather [hbm4b:s5+s6], $0x20, s2, s6, $0xb8;
	[tilespmem:$0x420] =	vst v63  }
0xd: {  	p0 =	sne.s32 s9, $0x1;
	_ =	swait.ge [sflag:s7], $0x400  }
.Ltmp0:
0xe: {  	[sflag:s7] =	ssyncset.done $0x0;
	(pc) =	sbr.rel @!p0 .LBB2_2-.Ltmp0, $4  }
0xf: {  	s8 =	sadd.s32 $0x64000, s8;
	[sflag:s7] =	ssyncadd.s32 $0xFFFFFC00  }
0x10: {  	[hbm4b:s8+s2] =	stream.linear.scatter [tilespmem:s6], [sflag:$0x2], $0x400, $0x38;
	[tilespmem:$0x420] =	vst v63  }
0x11: {  	_ =	swait.ge [sflag:s3], $0x400  }
0x12: {  	s9 =	sadd.s32 $0xFFFFFFFF, s9;
	[sflag:s3] =	ssyncset.done $0x0  }
.LBB2_1:
0x13: {  	p0 =	sne.s32 s9, $0x1;
	s9 =	sadd.s32 $0xFFFFFFFF, s9;
	[sflag:s3] =	ssyncadd.s32 $0xFFFFFC00  }
0x14: {  	[tilespmem:s2], [sflag:$0x2] =	stream.linear.gather [hbm4b:s4+s2], $0x20, $0x38;
	[tilespmem:$0x420] =	vst v63  }
0x15: {  	_ =	swait.ge [sflag:s3], $0x20  }
0x16: {  	[sflag:s3] =	ssyncset.done $0x0  }
0x17: {  	[sflag:s3] =	ssyncadd.s32 $0xFFFFFFE0  }
0x18: {  	[tilespmem:s6], [sflag:$0x1] =	stream.indirect.gather [hbm4b:s5+s6], $0x20, s2, s6, $0xb8;
	[tilespmem:$0x420] =	vst v63  }
0x19: {  	_ =	swait.ge [sflag:s7], $0x400  }
.Ltmp1:
0x1a: {  	[sflag:s7] =	ssyncset.done $0x0;
	(pc) =	sbr.rel @p0 .LBB2_1-.Ltmp1, $4  }
0x1b: {  	[sflag:s7] =	ssyncadd.s32 $0xFFFFFC00  }
0x1c: {  	[hbm4b:s8+s2] =	stream.linear.scatter [tilespmem:s6], [sflag:$0x2], $0x400, $0x38;
	[tilespmem:$0x420] =	vst v63  }
0x1d: {  	_ =	swait.ge [sflag:s3], $0x400  }
0x1e: {  	[sflag:s3] =	ssyncset.done $0x0  }
.LBB2_2:
0x1f: {  	[sflag:s3] =	ssyncadd.s32 $0xFFFFFC00  }
0x20: {  	_ =	sfence.sel $0x180000  }
0x21: {  	[bflag:$0x0] =	sbarrier.arrive $0xFFFF  }
0x22: {  	p0 =	sne.s32 s0, $0x0;
	_ =	strace $0x90000047  }
0x23: {  	s0 =	sadd.s32 @!p0 $0x100000, s1;
	[bflag:$0x2] =	sbarrier.arrive $0xFFFF  }
0x24: {  	[sflag:s0] =	ssyncadd.tile.s32 @!p0 $0x1;
	_ =	shalt  }
.Lfunc_end2:
_tile_overlayer_lowered:
.L_overlay_start_2:
0x25: {  	(tag) =	ssettag $0x2  }
0x26: {  	s0 =	rddreg [dreg:$0x0];
	s2 =	stileid.u32  }
0x27: {  	s1 =	rddreg [dreg:$0x1];
	p0 =	sne.s32 s2, $0x0  }
0x28: {  	s3 =	rddreg [dreg:$0x2];
	[bflag:$0x3] =	sbarrier.arrive $0xFFFF;
	s2 =	simm.s32 @!p0 $0x1C02  }
0x29: {  	[timem:s3], [sflag:s2] =	dma.local @!p0 [hbm:s0], s1  }
0x2a: {  	s0 =	simm.s32 @!p0 $0x2  }
0x2b: {  	_ =	swait.ge @!p0 [sflag:s0], s1  }
0x2c: {  	s1 =	ssub.s32 @!p0 $0x0, s1;
	[sflag:s0] =	ssyncset.done @!p0 $0x0  }
0x2d: {  	[sflag:s0] =	ssyncadd.s32 @!p0 s1  }
0x2e: {  	[bflag:$0x3] =	sbarrier.arrive $0xFFFF  }
0x2f: {  	_ =	shalt  }

</sc_bundles>
